<compile_context>
chip_gen: v7x
topology: tpu7x:2x2x1
jax: 0.10.2.dev20260603
libtpu: 0.0.44.dev20260713+nightly
codegen_flags: <defaults>
</compile_context>

<pallas_src>
import jax
import jax.numpy as jnp
from jax import lax
from jax.experimental import pallas as pl
from jax.experimental.pallas import tpu as pltpu
from jax.experimental.pallas import tpu_sc as plsc

_N = 10000
_E = 320000
_H = 128

_NC = 2
_NS = 16
_NW = _NC * _NS
_EPW = _E // _NW
_CHUNK = 80
_NCHUNK = _EPW // _CHUNK
_ROWS_PT = 632
_NPAD = _ROWS_PT * _NS

_BLK = 1000
_GRID = _N // _BLK



def _film(h, w_ref, f_ref):
    msg = jnp.dot(h, w_ref[...], preferred_element_type=jnp.float32)
    film = jnp.dot(h, f_ref[...], preferred_element_type=jnp.float32)
    gam = film[:, :_H]
    bet = film[:, _H:]
    return jnp.maximum(gam * msg + bet, 0.0)


def _dense_film_body(x_ref, w_ref, f_ref, o_ref):
    o_ref[...] = _film(x_ref[...], w_ref, f_ref)


def _layernorm(agg, g, b):
    mu = jnp.mean(agg, axis=-1, keepdims=True)
    var = jnp.mean((agg - mu) * (agg - mu), axis=-1, keepdims=True)
    return (agg - mu) * lax.rsqrt(var + 1e-5) * g + b


def _combine_ln_film_body(p_ref, g_ref, b_ref, w_ref, f_ref, o_ref):
    pa = p_ref[...]
    h = _layernorm(pa[0] + pa[1], g_ref[...], b_ref[...])
    o_ref[...] = _film(h, w_ref, f_ref)


def _combine_ln_proj_body(p_ref, g_ref, b_ref, wp_ref, bp_ref, o_ref):
    pa = p_ref[...]
    h = _layernorm(pa[0] + pa[1], g_ref[...], b_ref[...])
    z = jnp.dot(h, wp_ref[...], preferred_element_type=jnp.float32) + bp_ref[...]
    o_ref[...] = jax.nn.sigmoid(z)


_dense_film = pl.pallas_call(
    _dense_film_body,
    grid=(_GRID,),
    in_specs=[
        pl.BlockSpec((_BLK, _H), lambda i: (i, 0)),
        pl.BlockSpec((_H, _H), lambda i: (0, 0)),
        pl.BlockSpec((_H, 2 * _H), lambda i: (0, 0)),
    ],
    out_specs=pl.BlockSpec((_BLK, _H), lambda i: (i, 0)),
    out_shape=jax.ShapeDtypeStruct((_N, _H), jnp.float32),
)

_combine_ln_film = pl.pallas_call(
    _combine_ln_film_body,
    grid=(_GRID,),
    in_specs=[
        pl.BlockSpec((_NC, _BLK, _H), lambda i: (0, i, 0)),
        pl.BlockSpec((1, _H), lambda i: (0, 0)),
        pl.BlockSpec((1, _H), lambda i: (0, 0)),
        pl.BlockSpec((_H, _H), lambda i: (0, 0)),
        pl.BlockSpec((_H, 2 * _H), lambda i: (0, 0)),
    ],
    out_specs=pl.BlockSpec((_BLK, _H), lambda i: (i, 0)),
    out_shape=jax.ShapeDtypeStruct((_N, _H), jnp.float32),
)

_combine_ln_proj = pl.pallas_call(
    _combine_ln_proj_body,
    grid=(_GRID,),
    in_specs=[
        pl.BlockSpec((_NC, _BLK, _H), lambda i: (0, i, 0)),
        pl.BlockSpec((1, _H), lambda i: (0, 0)),
        pl.BlockSpec((1, _H), lambda i: (0, 0)),
        pl.BlockSpec((_H, _H), lambda i: (0, 0)),
        pl.BlockSpec((1, _H), lambda i: (0, 0)),
    ],
    out_specs=pl.BlockSpec((_BLK, _H), lambda i: (i, 0)),
    out_shape=jax.ShapeDtypeStruct((_N, _H), jnp.float32),
)



def _sc_agg_body(m_hbm, src_hbm, dst_hbm, zeros_hbm, out_hbm,
                 srcall, dstall, rows0, rows1, aggs, gsem0, gsem1):
    cid = lax.axis_index("c")
    sid = lax.axis_index("s")
    wid = cid * _NS + sid
    stripe = pl.multiple_of(sid * _ROWS_PT, 8)

    pltpu.sync_copy(src_hbm.at[wid], srcall)
    pltpu.sync_copy(dst_hbm.at[wid], dstall)

    pltpu.sync_copy(zeros_hbm, aggs.at[pl.ds(stripe, _ROWS_PT), :])
    plsc.subcore_barrier()

    def gather_issue(c, rows, gsem):
        off = pl.multiple_of(c * _CHUNK, 8)
        pltpu.async_copy(m_hbm.at[srcall.at[pl.ds(off, _CHUNK)]], rows, gsem)

    def gather_wait(c, rows, gsem):
        off = pl.multiple_of(c * _CHUNK, 8)
        pltpu.make_async_copy(m_hbm.at[srcall.at[pl.ds(off, _CHUNK)]],
                              rows, gsem).wait()


    def scatter(c, rows):
        pltpu.sync_copy(rows, aggs.at[dstall.at[c]], add=True)

    gather_issue(0, rows0, gsem0)

    def pipe_body(k, carry):
        a = 2 * k
        gather_issue(a + 1, rows1, gsem1)
        gather_wait(a, rows0, gsem0)
        scatter(a, rows0)
        gather_issue(a + 2, rows0, gsem0)
        gather_wait(a + 1, rows1, gsem1)
        scatter(a + 1, rows1)
        return carry

    lax.fori_loop(0, (_NCHUNK - 1) // 2, pipe_body, 0)
    gather_wait(_NCHUNK - 1, rows0, gsem0)
    scatter(_NCHUNK - 1, rows0)
    plsc.subcore_barrier()

    pltpu.sync_copy(aggs.at[pl.ds(stripe, _ROWS_PT), :],
                    out_hbm.at[cid, pl.ds(stripe, _ROWS_PT), :])


_sc_agg = pl.kernel(
    _sc_agg_body,
    out_type=jax.ShapeDtypeStruct((_NC, _NPAD, _H), jnp.float32),
    mesh=plsc.VectorSubcoreMesh(core_axis_name="c", subcore_axis_name="s"),
    scratch_types=[
        pltpu.VMEM((_EPW,), jnp.int32),
        pltpu.VMEM((_NCHUNK, _CHUNK), jnp.int32),
        pltpu.VMEM((_CHUNK, _H), jnp.float32),
        pltpu.VMEM((_CHUNK, _H), jnp.float32),
        pltpu.VMEM_SHARED((_NPAD, _H), jnp.float32),
        pltpu.SemaphoreType.DMA,
        pltpu.SemaphoreType.DMA,
    ],
)


def kernel(x, edge_index, W1, F1, g1, b1, W2, F2, g2, b2, Wp, bp):
    src = edge_index[0].reshape(_NW, _EPW)
    dst = edge_index[1].reshape(_NW, _NCHUNK, _CHUNK)
    zeros = jnp.zeros((_ROWS_PT, _H), jnp.float32)
    g1r = g1.reshape(1, _H)
    b1r = b1.reshape(1, _H)
    g2r = g2.reshape(1, _H)
    b2r = b2.reshape(1, _H)
    bpr = bp.reshape(1, _H)

    m1 = _dense_film(x, W1, F1)
    p1 = _sc_agg(m1, src, dst, zeros)
    m2 = _combine_ln_film(p1, g1r, b1r, W2, F2)
    p2 = _sc_agg(m2, src, dst, zeros)
    out = _combine_ln_proj(p2, g2r, b2r, Wp, bpr)
    return out

# --- scband reference (transcript-rebuilt; emitter-appended) ---
"""Pipeline reference for scband-gnnfi-lm-84765474554364 (READ-ONLY COPY).

The authoritative reference and input builder live on the scoring server;
editing this copy changes nothing except your own understanding.
"""

import jax, jax.numpy as jnp
import numpy as np

N = 10000
E = 320000
IN = 128
H = 128
OUT = 128


def _layernorm(h, g, b, eps=1e-5):
    mu = jnp.mean(h, axis=-1, keepdims=True)
    var = jnp.var(h, axis=-1, keepdims=True)
    return (h - mu) / jnp.sqrt(var + eps) * g + b


def setup_inputs(seed: int = 0) -> dict:
    key = jax.random.key(seed)
    ks = jax.random.split(key, 12)
    x = jax.random.normal(ks[0], (N, IN), dtype=jnp.float32)
    edge_index = jax.random.randint(ks[1], (2, E), 0, N, dtype=jnp.int32)
    s_in = 1.0 / np.sqrt(IN)
    s_h = 1.0 / np.sqrt(H)
    W1 = jax.random.normal(ks[2], (IN, H), dtype=jnp.float32) * s_in
    F1 = jax.random.normal(ks[3], (IN, 2 * H), dtype=jnp.float32) * s_in
    g1 = jnp.ones((H,), dtype=jnp.float32)
    b1 = jnp.zeros((H,), dtype=jnp.float32)
    W2 = jax.random.normal(ks[4], (H, H), dtype=jnp.float32) * s_h
    F2 = jax.random.normal(ks[5], (H, 2 * H), dtype=jnp.float32) * s_h
    g2 = jnp.ones((H,), dtype=jnp.float32)
    b2 = jnp.zeros((H,), dtype=jnp.float32)
    Wp = jax.random.normal(ks[6], (H, OUT), dtype=jnp.float32) * s_h
    bp = jnp.zeros((OUT,), dtype=jnp.float32)
    return {"x": x, "edge_index": edge_index, "W1": W1, "F1": F1, "g1": g1, "b1": b1,
            "W2": W2, "F2": F2, "g2": g2, "b2": b2, "Wp": Wp, "bp": bp}


def reference(x, edge_index, W1, F1, g1, b1, W2, F2, g2, b2, Wp, bp):
    src = edge_index[0]
    dst = edge_index[1]
    h = x
    for (W, Fm, g, b) in ((W1, F1, g1, b1), (W2, F2, g2, b2)):
        messages = h @ W
        film = h @ Fm
        gamma = film[:, :H]
        beta = film[:, H:]
        messages = jax.nn.relu(gamma * messages + beta)
        agg = jax.ops.segment_sum(messages[src], dst, num_segments=N)
        h = _layernorm(agg, g, b)
        # dropout disabled (deterministic eval reference)
    out = jax.nn.sigmoid(h @ Wp + bp)
    return out

if __name__ == "__main__":
    import jax
    _d = setup_inputs()
    print(jax.jit(kernel)(*tuple(_d.values())))

</pallas_src>

<mosaic_0001>
#map = affine_map<(d0, d1) -> (0, 0)>
#map1 = affine_map<(d0, d1) -> (0, 0, 0)>
module attributes {stable_mosaic.version = 14 : i64} {
  func.func @_sc_agg_body(%arg0: i32, %arg1: i32, %arg2: memref<10000x128xf32, #tpu.memory_space<hbm>>, %arg3: memref<32x10000xi32, #tpu.memory_space<hbm>>, %arg4: memref<32x125x80xi32, #tpu.memory_space<hbm>>, %arg5: memref<632x128xf32, #tpu.memory_space<hbm>>, %arg6: memref<2x10112x128xf32, #tpu.memory_space<hbm>>, %arg7: memref<10000xi32, #tpu.memory_space<vmem>>, %arg8: memref<125x80xi32, #tpu.memory_space<vmem>>, %arg9: memref<80x128xf32, #tpu.memory_space<vmem>>, %arg10: memref<80x128xf32, #tpu.memory_space<vmem>>, %arg11: memref<10112x128xf32, #tpu.memory_space<vmem_shared>>, %arg12: memref<!tpu.dma_semaphore, #tpu.memory_space<semaphore_mem>>, %arg13: memref<!tpu.dma_semaphore, #tpu.memory_space<semaphore_mem>>) attributes {dimension_semantics = [#tpu.dimension_semantics<core_parallel>, #tpu.dimension_semantics<subcore_parallel>], iteration_bounds = array<i64: 2, 16>, scalar_prefetch = 0 : i64, scratch_operands = 7 : i64, tpu.core_type = #tpu.core_type<sc_vector_subcore>, window_params = [{transform_indices = #map}, {transform_indices = #map}, {transform_indices = #map1}, {transform_indices = #map}, {transform_indices = #map1}]} {
    %mul3A = arith.constant 16 : i32
    %mul3A_0 = arith.muli %arg0, %mul3A : i32
    %add3A = arith.addi %mul3A_0, %arg1 : i32
    %mul3A_1 = arith.constant 632 : i32
    %mul3A_2 = arith.muli %arg1, %mul3A_1 : i32
    %multiple_of3A = tpu.assume_multiple %mul3A_2, 8 : i32
    "tpu.region"() ({
      %run_scoped3A_19 = tpu.sem_alloc : memref<!tpu.dma_semaphore, #tpu.memory_space<semaphore_mem>>
      %dma_start3A_20 = arith.constant 0 : i32
      %dma_start3A_21 = tpu.memref_slice %arg3[%add3A, %dma_start3A_20] : memref<32x10000xi32, #tpu.memory_space<hbm>> -> memref<1x10000xi32, #tpu.memory_space<hbm>>
      %dma_start3A_22 = tpu.memref_squeeze %dma_start3A_21 : memref<1x10000xi32, #tpu.memory_space<hbm>> -> memref<10000xi32, #tpu.memory_space<hbm>>
      %dma_start3A_23 = arith.constant 0 : i32
      %dma_start3A_24 = tpu.memref_slice %arg3[%add3A, %dma_start3A_23] : memref<32x10000xi32, #tpu.memory_space<hbm>> -> memref<1x10000xi32, #tpu.memory_space<hbm>>
      %dma_start3A_25 = tpu.memref_squeeze %dma_start3A_24 : memref<1x10000xi32, #tpu.memory_space<hbm>> -> memref<10000xi32, #tpu.memory_space<hbm>>
      tpu.enqueue_dma source(%dma_start3A_25 : memref<10000xi32, #tpu.memory_space<hbm>>) target(%arg7 : memref<10000xi32, #tpu.memory_space<vmem>>) target_semaphore(%run_scoped3A_19 : memref<!tpu.dma_semaphore, #tpu.memory_space<semaphore_mem>>)
      %dma_wait3A_26 = arith.constant 0 : i32
      %dma_wait3A_27 = tpu.memref_slice %arg3[%add3A, %dma_wait3A_26] : memref<32x10000xi32, #tpu.memory_space<hbm>> -> memref<1x10000xi32, #tpu.memory_space<hbm>>
      %dma_wait3A_28 = tpu.memref_squeeze %dma_wait3A_27 : memref<1x10000xi32, #tpu.memory_space<hbm>> -> memref<10000xi32, #tpu.memory_space<hbm>>
      %dma_wait3A_29 = arith.constant 0 : i32
      %dma_wait3A_30 = tpu.memref_slice %arg3[%add3A, %dma_wait3A_29] : memref<32x10000xi32, #tpu.memory_space<hbm>> -> memref<1x10000xi32, #tpu.memory_space<hbm>>
      %dma_wait3A_31 = tpu.memref_squeeze %dma_wait3A_30 : memref<1x10000xi32, #tpu.memory_space<hbm>> -> memref<10000xi32, #tpu.memory_space<hbm>>
      tpu.wait_dma2 semaphore(%run_scoped3A_19 : memref<!tpu.dma_semaphore, #tpu.memory_space<semaphore_mem>>) src(%dma_wait3A_31 : memref<10000xi32, #tpu.memory_space<hbm>>) dst(%arg7 : memref<10000xi32, #tpu.memory_space<vmem>>)
      tpu.yield
    }) : () -> ()
    "tpu.region"() ({
      %run_scoped3A_19 = tpu.sem_alloc : memref<!tpu.dma_semaphore, #tpu.memory_space<semaphore_mem>>
      %dma_start3A_20 = arith.constant 0 : i32
      %dma_start3A_21 = arith.constant 0 : i32
      %dma_start3A_22 = tpu.memref_slice %arg4[%add3A, %dma_start3A_20, %dma_start3A_21] : memref<32x125x80xi32, #tpu.memory_space<hbm>> -> memref<1x125x80xi32, #tpu.memory_space<hbm>>
      %dma_start3A_23 = tpu.memref_squeeze %dma_start3A_22 : memref<1x125x80xi32, #tpu.memory_space<hbm>> -> memref<125x80xi32, #tpu.memory_space<hbm>>
      %dma_start3A_24 = arith.constant 0 : i32
      %dma_start3A_25 = arith.constant 0 : i32
      %dma_start3A_26 = tpu.memref_slice %arg4[%add3A, %dma_start3A_24, %dma_start3A_25] : memref<32x125x80xi32, #tpu.memory_space<hbm>> -> memref<1x125x80xi32, #tpu.memory_space<hbm>>
      %dma_start3A_27 = tpu.memref_squeeze %dma_start3A_26 : memref<1x125x80xi32, #tpu.memory_space<hbm>> -> memref<125x80xi32, #tpu.memory_space<hbm>>
      tpu.enqueue_dma source(%dma_start3A_27 : memref<125x80xi32, #tpu.memory_space<hbm>>) target(%arg8 : memref<125x80xi32, #tpu.memory_space<vmem>>) target_semaphore(%run_scoped3A_19 : memref<!tpu.dma_semaphore, #tpu.memory_space<semaphore_mem>>)
      %dma_wait3A_28 = arith.constant 0 : i32
      %dma_wait3A_29 = arith.constant 0 : i32
      %dma_wait3A_30 = tpu.memref_slice %arg4[%add3A, %dma_wait3A_28, %dma_wait3A_29] : memref<32x125x80xi32, #tpu.memory_space<hbm>> -> memref<1x125x80xi32, #tpu.memory_space<hbm>>
      %dma_wait3A_31 = tpu.memref_squeeze %dma_wait3A_30 : memref<1x125x80xi32, #tpu.memory_space<hbm>> -> memref<125x80xi32, #tpu.memory_space<hbm>>
      %dma_wait3A_32 = arith.constant 0 : i32
      %dma_wait3A_33 = arith.constant 0 : i32
      %dma_wait3A_34 = tpu.memref_slice %arg4[%add3A, %dma_wait3A_32, %dma_wait3A_33] : memref<32x125x80xi32, #tpu.memory_space<hbm>> -> memref<1x125x80xi32, #tpu.memory_space<hbm>>
      %dma_wait3A_35 = tpu.memref_squeeze %dma_wait3A_34 : memref<1x125x80xi32, #tpu.memory_space<hbm>> -> memref<125x80xi32, #tpu.memory_space<hbm>>
      tpu.wait_dma2 semaphore(%run_scoped3A_19 : memref<!tpu.dma_semaphore, #tpu.memory_space<semaphore_mem>>) src(%dma_wait3A_35 : memref<125x80xi32, #tpu.memory_space<hbm>>) dst(%arg8 : memref<125x80xi32, #tpu.memory_space<vmem>>)
      tpu.yield
    }) : () -> ()
    "tpu.region"() ({
      %run_scoped3A_19 = tpu.sem_alloc : memref<!tpu.dma_semaphore, #tpu.memory_space<semaphore_mem>>
      %dma_start3A_20 = arith.constant 0 : i32
      %dma_start3A_21 = tpu.memref_slice %arg11[%multiple_of3A, %dma_start3A_20] : memref<10112x128xf32, #tpu.memory_space<vmem_shared>> -> memref<632x128xf32, #tpu.memory_space<vmem_shared>>
      tpu.enqueue_dma source(%arg5 : memref<632x128xf32, #tpu.memory_space<hbm>>) target(%dma_start3A_21 : memref<632x128xf32, #tpu.memory_space<vmem_shared>>) target_semaphore(%run_scoped3A_19 : memref<!tpu.dma_semaphore, #tpu.memory_space<semaphore_mem>>)
      %dma_wait3A_22 = arith.constant 0 : i32
      %dma_wait3A_23 = tpu.memref_slice %arg11[%multiple_of3A, %dma_wait3A_22] : memref<10112x128xf32, #tpu.memory_space<vmem_shared>> -> memref<632x128xf32, #tpu.memory_space<vmem_shared>>
      tpu.wait_dma2 semaphore(%run_scoped3A_19 : memref<!tpu.dma_semaphore, #tpu.memory_space<semaphore_mem>>) src(%arg5 : memref<632x128xf32, #tpu.memory_space<hbm>>) dst(%dma_wait3A_23 : memref<632x128xf32, #tpu.memory_space<vmem_shared>>)
      tpu.yield
    }) : () -> ()
    %barrier3A = arith.constant 0 : index
    tpu.barrier barrier_id(%barrier3A)
    %multiple_of3A_3 = arith.constant 0 : i32
    %multiple_of3A_4 = tpu.assume_multiple %multiple_of3A_3, 8 : i32
    %dma_start3A = tpu.memref_slice %arg7[%multiple_of3A_4] : memref<10000xi32, #tpu.memory_space<vmem>> -> memref<80xi32, #tpu.memory_space<vmem>>
    %dma_start3A_5 = arith.constant 0 : i32
    %dma_start3A_6 = arith.constant 0 : i32
    %dma_start3A_7 = tpu.memref_slice %arg2[%dma_start3A_5, %dma_start3A_6] : memref<10000x128xf32, #tpu.memory_space<hbm>> -> memref<10000x128xf32, #tpu.memory_space<hbm>>
    tpu.enqueue_indirect_dma source(%dma_start3A_7 : memref<10000x128xf32, #tpu.memory_space<hbm>>) target(%arg9 : memref<80x128xf32, #tpu.memory_space<vmem>>) offsets(%dma_start3A : memref<80xi32, #tpu.memory_space<vmem>>) semaphore(%arg12 : memref<!tpu.dma_semaphore, #tpu.memory_space<semaphore_mem>>)
    %scan3A = arith.constant 0 : i32
    %scan3A_8 = arith.constant 0 : i32
    %scan3A_9 = arith.constant 62 : i32
    %scan3A_10 = arith.addi %scan3A_8, %scan3A_9 : i32
    %scan3A_11 = arith.constant 1 : i32
    scf.for %scan3A_19 = %scan3A_8 to %scan3A_10 step %scan3A_11  : i32 {
      %mul3A_20 = arith.constant 2 : i32
      %mul3A_21 = arith.muli %mul3A_20, %scan3A_19 : i32
      %add3A_22 = arith.constant 1 : i32
      %add3A_23 = arith.addi %mul3A_21, %add3A_22 : i32
      %mul3A_24 = arith.constant 80 : i32
      %mul3A_25 = arith.muli %add3A_23, %mul3A_24 : i32
      %multiple_of3A_26 = tpu.assume_multiple %mul3A_25, 8 : i32
      %dma_start3A_27 = tpu.memref_slice %arg7[%multiple_of3A_26] : memref<10000xi32, #tpu.memory_space<vmem>> -> memref<80xi32, #tpu.memory_space<vmem>>
      %dma_start3A_28 = arith.constant 0 : i32
      %dma_start3A_29 = arith.constant 0 : i32
      %dma_start3A_30 = tpu.memref_slice %arg2[%dma_start3A_28, %dma_start3A_29] : memref<10000x128xf32, #tpu.memory_space<hbm>> -> memref<10000x128xf32, #tpu.memory_space<hbm>>
      tpu.enqueue_indirect_dma source(%dma_start3A_30 : memref<10000x128xf32, #tpu.memory_space<hbm>>) target(%arg10 : memref<80x128xf32, #tpu.memory_space<vmem>>) offsets(%dma_start3A_27 : memref<80xi32, #tpu.memory_space<vmem>>) semaphore(%arg13 : memref<!tpu.dma_semaphore, #tpu.memory_space<semaphore_mem>>)
      %mul3A_31 = arith.constant 80 : i32
      %mul3A_32 = arith.muli %mul3A_21, %mul3A_31 : i32
      %multiple_of3A_33 = tpu.assume_multiple %mul3A_32, 8 : i32
      %dma_wait3A_34 = tpu.memref_slice %arg7[%multiple_of3A_33] : memref<10000xi32, #tpu.memory_space<vmem>> -> memref<80xi32, #tpu.memory_space<vmem>>
      %dma_wait3A_35 = arith.constant 0 : i32
      %dma_wait3A_36 = arith.constant 0 : i32
      %dma_wait3A_37 = tpu.memref_slice %arg2[%dma_wait3A_35, %dma_wait3A_36] : memref<10000x128xf32, #tpu.memory_space<hbm>> -> memref<10000x128xf32, #tpu.memory_space<hbm>>
      tpu.wait_indirect_dma semaphore(%arg12 : memref<!tpu.dma_semaphore, #tpu.memory_space<semaphore_mem>>) src(%dma_wait3A_37 : memref<10000x128xf32, #tpu.memory_space<hbm>>) dst(%arg9 : memref<80x128xf32, #tpu.memory_space<vmem>>)
      "tpu.region"() ({
        %run_scoped3A_58 = tpu.sem_alloc : memref<!tpu.dma_semaphore, #tpu.memory_space<semaphore_mem>>
        %dma_start3A_59 = arith.constant 0 : i32
        %dma_start3A_60 = tpu.memref_slice %arg8[%mul3A_21, %dma_start3A_59] : memref<125x80xi32, #tpu.memory_space<vmem>> -> memref<1x80xi32, #tpu.memory_space<vmem>>
        %dma_start3A_61 = tpu.memref_squeeze %dma_start3A_60 : memref<1x80xi32, #tpu.memory_space<vmem>> -> memref<80xi32, #tpu.memory_space<vmem>>
        %dma_start3A_62 = arith.constant 0 : i32
        %dma_start3A_63 = arith.constant 0 : i32
        %dma_start3A_64 = tpu.memref_slice %arg11[%dma_start3A_62, %dma_start3A_63] : memref<10112x128xf32, #tpu.memory_space<vmem_shared>> -> memref<10112x128xf32, #tpu.memory_space<vmem_shared>>
        tpu.enqueue_indirect_dma source(%arg9 : memref<80x128xf32, #tpu.memory_space<vmem>>) target(%dma_start3A_64 : memref<10112x128xf32, #tpu.memory_space<vmem_shared>>) offsets(%dma_start3A_61 : memref<80xi32, #tpu.memory_space<vmem>>) semaphore(%run_scoped3A_58 : memref<!tpu.dma_semaphore, #tpu.memory_space<semaphore_mem>>) {add = true}
        %dma_wait3A_65 = arith.constant 0 : i32
        %dma_wait3A_66 = tpu.memref_slice %arg8[%mul3A_21, %dma_wait3A_65] : memref<125x80xi32, #tpu.memory_space<vmem>> -> memref<1x80xi32, #tpu.memory_space<vmem>>
        %dma_wait3A_67 = tpu.memref_squeeze %dma_wait3A_66 : memref<1x80xi32, #tpu.memory_space<vmem>> -> memref<80xi32, #tpu.memory_space<vmem>>
        %dma_wait3A_68 = arith.constant 0 : i32
        %dma_wait3A_69 = arith.constant 0 : i32
        %dma_wait3A_70 = tpu.memref_slice %arg11[%dma_wait3A_68, %dma_wait3A_69] : memref<10112x128xf32, #tpu.memory_space<vmem_shared>> -> memref<10112x128xf32, #tpu.memory_space<vmem_shared>>
        tpu.wait_indirect_dma semaphore(%run_scoped3A_58 : memref<!tpu.dma_semaphore, #tpu.memory_space<semaphore_mem>>) src(%arg9 : memref<80x128xf32, #tpu.memory_space<vmem>>) dst(%dma_wait3A_70 : memref<10112x128xf32, #tpu.memory_space<vmem_shared>>)
        tpu.yield
      }) : () -> ()
      %add3A_38 = arith.constant 2 : i32
      %add3A_39 = arith.addi %mul3A_21, %add3A_38 : i32
      %mul3A_40 = arith.constant 80 : i32
      %mul3A_41 = arith.muli %add3A_39, %mul3A_40 : i32
      %multiple_of3A_42 = tpu.assume_multiple %mul3A_41, 8 : i32
      %dma_start3A_43 = tpu.memref_slice %arg7[%multiple_of3A_42] : memref<10000xi32, #tpu.memory_space<vmem>> -> memref<80xi32, #tpu.memory_space<vmem>>
      %dma_start3A_44 = arith.constant 0 : i32
      %dma_start3A_45 = arith.constant 0 : i32
      %dma_start3A_46 = tpu.memref_slice %arg2[%dma_start3A_44, %dma_start3A_45] : memref<10000x128xf32, #tpu.memory_space<hbm>> -> memref<10000x128xf32, #tpu.memory_space<hbm>>
      tpu.enqueue_indirect_dma source(%dma_start3A_46 : memref<10000x128xf32, #tpu.memory_space<hbm>>) target(%arg9 : memref<80x128xf32, #tpu.memory_space<vmem>>) offsets(%dma_start3A_43 : memref<80xi32, #tpu.memory_space<vmem>>) semaphore(%arg12 : memref<!tpu.dma_semaphore, #tpu.memory_space<semaphore_mem>>)
      %add3A_47 = arith.constant 1 : i32
      %add3A_48 = arith.addi %mul3A_21, %add3A_47 : i32
      %mul3A_49 = arith.constant 80 : i32
      %mul3A_50 = arith.muli %add3A_48, %mul3A_49 : i32
      %multiple_of3A_51 = tpu.assume_multiple %mul3A_50, 8 : i32
      %dma_wait3A_52 = tpu.memref_slice %arg7[%multiple_of3A_51] : memref<10000xi32, #tpu.memory_space<vmem>> -> memref<80xi32, #tpu.memory_space<vmem>>
      %dma_wait3A_53 = arith.constant 0 : i32
      %dma_wait3A_54 = arith.constant 0 : i32
      %dma_wait3A_55 = tpu.memref_slice %arg2[%dma_wait3A_53, %dma_wait3A_54] : memref<10000x128xf32, #tpu.memory_space<hbm>> -> memref<10000x128xf32, #tpu.memory_space<hbm>>
      tpu.wait_indirect_dma semaphore(%arg13 : memref<!tpu.dma_semaphore, #tpu.memory_space<semaphore_mem>>) src(%dma_wait3A_55 : memref<10000x128xf32, #tpu.memory_space<hbm>>) dst(%arg10 : memref<80x128xf32, #tpu.memory_space<vmem>>)
      %add3A_56 = arith.constant 1 : i32
      %add3A_57 = arith.addi %mul3A_21, %add3A_56 : i32
      "tpu.region"() ({
        %run_scoped3A_58 = tpu.sem_alloc : memref<!tpu.dma_semaphore, #tpu.memory_space<semaphore_mem>>
        %dma_start3A_59 = arith.constant 0 : i32
        %dma_start3A_60 = tpu.memref_slice %arg8[%add3A_57, %dma_start3A_59] : memref<125x80xi32, #tpu.memory_space<vmem>> -> memref<1x80xi32, #tpu.memory_space<vmem>>
        %dma_start3A_61 = tpu.memref_squeeze %dma_start3A_60 : memref<1x80xi32, #tpu.memory_space<vmem>> -> memref<80xi32, #tpu.memory_space<vmem>>
        %dma_start3A_62 = arith.constant 0 : i32
        %dma_start3A_63 = arith.constant 0 : i32
        %dma_start3A_64 = tpu.memref_slice %arg11[%dma_start3A_62, %dma_start3A_63] : memref<10112x128xf32, #tpu.memory_space<vmem_shared>> -> memref<10112x128xf32, #tpu.memory_space<vmem_shared>>
        tpu.enqueue_indirect_dma source(%arg10 : memref<80x128xf32, #tpu.memory_space<vmem>>) target(%dma_start3A_64 : memref<10112x128xf32, #tpu.memory_space<vmem_shared>>) offsets(%dma_start3A_61 : memref<80xi32, #tpu.memory_space<vmem>>) semaphore(%run_scoped3A_58 : memref<!tpu.dma_semaphore, #tpu.memory_space<semaphore_mem>>) {add = true}
        %dma_wait3A_65 = arith.constant 0 : i32
        %dma_wait3A_66 = tpu.memref_slice %arg8[%add3A_57, %dma_wait3A_65] : memref<125x80xi32, #tpu.memory_space<vmem>> -> memref<1x80xi32, #tpu.memory_space<vmem>>
        %dma_wait3A_67 = tpu.memref_squeeze %dma_wait3A_66 : memref<1x80xi32, #tpu.memory_space<vmem>> -> memref<80xi32, #tpu.memory_space<vmem>>
        %dma_wait3A_68 = arith.constant 0 : i32
        %dma_wait3A_69 = arith.constant 0 : i32
        %dma_wait3A_70 = tpu.memref_slice %arg11[%dma_wait3A_68, %dma_wait3A_69] : memref<10112x128xf32, #tpu.memory_space<vmem_shared>> -> memref<10112x128xf32, #tpu.memory_space<vmem_shared>>
        tpu.wait_indirect_dma semaphore(%run_scoped3A_58 : memref<!tpu.dma_semaphore, #tpu.memory_space<semaphore_mem>>) src(%arg10 : memref<80x128xf32, #tpu.memory_space<vmem>>) dst(%dma_wait3A_70 : memref<10112x128xf32, #tpu.memory_space<vmem_shared>>)
        tpu.yield
      }) : () -> ()
    }
    %scan3A_12 = arith.constant 62 : i32
    %multiple_of3A_13 = arith.constant 9920 : i32
    %multiple_of3A_14 = tpu.assume_multiple %multiple_of3A_13, 8 : i32
    %dma_wait3A = tpu.memref_slice %arg7[%multiple_of3A_14] : memref<10000xi32, #tpu.memory_space<vmem>> -> memref<80xi32, #tpu.memory_space<vmem>>
    %dma_wait3A_15 = arith.constant 0 : i32
    %dma_wait3A_16 = arith.constant 0 : i32
    %dma_wait3A_17 = tpu.memref_slice %arg2[%dma_wait3A_15, %dma_wait3A_16] : memref<10000x128xf32, #tpu.memory_space<hbm>> -> memref<10000x128xf32, #tpu.memory_space<hbm>>
    tpu.wait_indirect_dma semaphore(%arg12 : memref<!tpu.dma_semaphore, #tpu.memory_space<semaphore_mem>>) src(%dma_wait3A_17 : memref<10000x128xf32, #tpu.memory_space<hbm>>) dst(%arg9 : memref<80x128xf32, #tpu.memory_space<vmem>>)
    %run_scoped3A = arith.constant 124 : i32
    "tpu.region"() ({
      %run_scoped3A_19 = tpu.sem_alloc : memref<!tpu.dma_semaphore, #tpu.memory_space<semaphore_mem>>
      %dma_start3A_20 = arith.constant 0 : i32
      %dma_start3A_21 = tpu.memref_slice %arg8[%run_scoped3A, %dma_start3A_20] : memref<125x80xi32, #tpu.memory_space<vmem>> -> memref<1x80xi32, #tpu.memory_space<vmem>>
      %dma_start3A_22 = tpu.memref_squeeze %dma_start3A_21 : memref<1x80xi32, #tpu.memory_space<vmem>> -> memref<80xi32, #tpu.memory_space<vmem>>
      %dma_start3A_23 = arith.constant 0 : i32
      %dma_start3A_24 = arith.constant 0 : i32
      %dma_start3A_25 = tpu.memref_slice %arg11[%dma_start3A_23, %dma_start3A_24] : memref<10112x128xf32, #tpu.memory_space<vmem_shared>> -> memref<10112x128xf32, #tpu.memory_space<vmem_shared>>
      tpu.enqueue_indirect_dma source(%arg9 : memref<80x128xf32, #tpu.memory_space<vmem>>) target(%dma_start3A_25 : memref<10112x128xf32, #tpu.memory_space<vmem_shared>>) offsets(%dma_start3A_22 : memref<80xi32, #tpu.memory_space<vmem>>) semaphore(%run_scoped3A_19 : memref<!tpu.dma_semaphore, #tpu.memory_space<semaphore_mem>>) {add = true}
      %dma_wait3A_26 = arith.constant 0 : i32
      %dma_wait3A_27 = tpu.memref_slice %arg8[%run_scoped3A, %dma_wait3A_26] : memref<125x80xi32, #tpu.memory_space<vmem>> -> memref<1x80xi32, #tpu.memory_space<vmem>>
      %dma_wait3A_28 = tpu.memref_squeeze %dma_wait3A_27 : memref<1x80xi32, #tpu.memory_space<vmem>> -> memref<80xi32, #tpu.memory_space<vmem>>
      %dma_wait3A_29 = arith.constant 0 : i32
      %dma_wait3A_30 = arith.constant 0 : i32
      %dma_wait3A_31 = tpu.memref_slice %arg11[%dma_wait3A_29, %dma_wait3A_30] : memref<10112x128xf32, #tpu.memory_space<vmem_shared>> -> memref<10112x128xf32, #tpu.memory_space<vmem_shared>>
      tpu.wait_indirect_dma semaphore(%run_scoped3A_19 : memref<!tpu.dma_semaphore, #tpu.memory_space<semaphore_mem>>) src(%arg9 : memref<80x128xf32, #tpu.memory_space<vmem>>) dst(%dma_wait3A_31 : memref<10112x128xf32, #tpu.memory_space<vmem_shared>>)
      tpu.yield
    }) : () -> ()
    %barrier3A_18 = arith.constant 0 : index
    tpu.barrier barrier_id(%barrier3A_18)
    "tpu.region"() ({
      %run_scoped3A_19 = tpu.sem_alloc : memref<!tpu.dma_semaphore, #tpu.memory_space<semaphore_mem>>
      %dma_start3A_20 = arith.constant 0 : i32
      %dma_start3A_21 = tpu.memref_slice %arg6[%arg0, %multiple_of3A, %dma_start3A_20] : memref<2x10112x128xf32, #tpu.memory_space<hbm>> -> memref<1x632x128xf32, #tpu.memory_space<hbm>>
      %dma_start3A_22 = tpu.memref_squeeze %dma_start3A_21 : memref<1x632x128xf32, #tpu.memory_space<hbm>> -> memref<632x128xf32, #tpu.memory_space<hbm>>
      %dma_start3A_23 = arith.constant 0 : i32
      %dma_start3A_24 = tpu.memref_slice %arg11[%multiple_of3A, %dma_start3A_23] : memref<10112x128xf32, #tpu.memory_space<vmem_shared>> -> memref<632x128xf32, #tpu.memory_space<vmem_shared>>
      tpu.enqueue_dma source(%dma_start3A_24 : memref<632x128xf32, #tpu.memory_space<vmem_shared>>) target(%dma_start3A_22 : memref<632x128xf32, #tpu.memory_space<hbm>>) target_semaphore(%run_scoped3A_19 : memref<!tpu.dma_semaphore, #tpu.memory_space<semaphore_mem>>)
      %dma_wait3A_25 = arith.constant 0 : i32
      %dma_wait3A_26 = tpu.memref_slice %arg6[%arg0, %multiple_of3A, %dma_wait3A_25] : memref<2x10112x128xf32, #tpu.memory_space<hbm>> -> memref<1x632x128xf32, #tpu.memory_space<hbm>>
      %dma_wait3A_27 = tpu.memref_squeeze %dma_wait3A_26 : memref<1x632x128xf32, #tpu.memory_space<hbm>> -> memref<632x128xf32, #tpu.memory_space<hbm>>
      %dma_wait3A_28 = arith.constant 0 : i32
      %dma_wait3A_29 = tpu.memref_slice %arg11[%multiple_of3A, %dma_wait3A_28] : memref<10112x128xf32, #tpu.memory_space<vmem_shared>> -> memref<632x128xf32, #tpu.memory_space<vmem_shared>>
      tpu.wait_dma2 semaphore(%run_scoped3A_19 : memref<!tpu.dma_semaphore, #tpu.memory_space<semaphore_mem>>) src(%dma_wait3A_29 : memref<632x128xf32, #tpu.memory_space<vmem_shared>>) dst(%dma_wait3A_27 : memref<632x128xf32, #tpu.memory_space<hbm>>)
      tpu.yield
    }) : () -> ()
    return
  }
}

#map = affine_map<(d0, d1) -> (0, 0)>
#map1 = affine_map<(d0, d1) -> (0, 0, 0)>
module attributes {stable_mosaic.version = 14 : i64} {
  func.func @_sc_agg_body(%arg0: i32, %arg1: i32, %arg2: memref<10000x128xf32, #tpu.memory_space<hbm>>, %arg3: memref<32x10000xi32, #tpu.memory_space<hbm>>, %arg4: memref<32x125x80xi32, #tpu.memory_space<hbm>>, %arg5: memref<632x128xf32, #tpu.memory_space<hbm>>, %arg6: memref<2x10112x128xf32, #tpu.memory_space<hbm>>, %arg7: memref<10000xi32, #tpu.memory_space<vmem>>, %arg8: memref<125x80xi32, #tpu.memory_space<vmem>>, %arg9: memref<80x128xf32, #tpu.memory_space<vmem>>, %arg10: memref<80x128xf32, #tpu.memory_space<vmem>>, %arg11: memref<10112x128xf32, #tpu.memory_space<vmem_shared>>, %arg12: memref<!tpu.dma_semaphore, #tpu.memory_space<semaphore_mem>>, %arg13: memref<!tpu.dma_semaphore, #tpu.memory_space<semaphore_mem>>) attributes {dimension_semantics = [#tpu.dimension_semantics<core_parallel>, #tpu.dimension_semantics<subcore_parallel>], iteration_bounds = array<i64: 2, 16>, scalar_prefetch = 0 : i64, scratch_operands = 7 : i64, tpu.core_type = #tpu.core_type<sc_vector_subcore>, window_params = [{transform_indices = #map}, {transform_indices = #map}, {transform_indices = #map1}, {transform_indices = #map}, {transform_indices = #map1}]} {
    %mul3A = arith.constant 16 : i32
    %mul3A_0 = arith.muli %arg0, %mul3A : i32
    %add3A = arith.addi %mul3A_0, %arg1 : i32
    %mul3A_1 = arith.constant 632 : i32
    %mul3A_2 = arith.muli %arg1, %mul3A_1 : i32
    %multiple_of3A = tpu.assume_multiple %mul3A_2, 8 : i32
    "tpu.region"() ({
      %run_scoped3A_19 = tpu.sem_alloc : memref<!tpu.dma_semaphore, #tpu.memory_space<semaphore_mem>>
      %dma_start3A_20 = arith.constant 0 : i32
      %dma_start3A_21 = tpu.memref_slice %arg3[%add3A, %dma_start3A_20] : memref<32x10000xi32, #tpu.memory_space<hbm>> -> memref<1x10000xi32, #tpu.memory_space<hbm>>
      %dma_start3A_22 = tpu.memref_squeeze %dma_start3A_21 : memref<1x10000xi32, #tpu.memory_space<hbm>> -> memref<10000xi32, #tpu.memory_space<hbm>>
      %dma_start3A_23 = arith.constant 0 : i32
      %dma_start3A_24 = tpu.memref_slice %arg3[%add3A, %dma_start3A_23] : memref<32x10000xi32, #tpu.memory_space<hbm>> -> memref<1x10000xi32, #tpu.memory_space<hbm>>
      %dma_start3A_25 = tpu.memref_squeeze %dma_start3A_24 : memref<1x10000xi32, #tpu.memory_space<hbm>> -> memref<10000xi32, #tpu.memory_space<hbm>>
      tpu.enqueue_dma source(%dma_start3A_25 : memref<10000xi32, #tpu.memory_space<hbm>>) target(%arg7 : memref<10000xi32, #tpu.memory_space<vmem>>) target_semaphore(%run_scoped3A_19 : memref<!tpu.dma_semaphore, #tpu.memory_space<semaphore_mem>>)
      %dma_wait3A_26 = arith.constant 0 : i32
      %dma_wait3A_27 = tpu.memref_slice %arg3[%add3A, %dma_wait3A_26] : memref<32x10000xi32, #tpu.memory_space<hbm>> -> memref<1x10000xi32, #tpu.memory_space<hbm>>
      %dma_wait3A_28 = tpu.memref_squeeze %dma_wait3A_27 : memref<1x10000xi32, #tpu.memory_space<hbm>> -> memref<10000xi32, #tpu.memory_space<hbm>>
      %dma_wait3A_29 = arith.constant 0 : i32
      %dma_wait3A_30 = tpu.memref_slice %arg3[%add3A, %dma_wait3A_29] : memref<32x10000xi32, #tpu.memory_space<hbm>> -> memref<1x10000xi32, #tpu.memory_space<hbm>>
      %dma_wait3A_31 = tpu.memref_squeeze %dma_wait3A_30 : memref<1x10000xi32, #tpu.memory_space<hbm>> -> memref<10000xi32, #tpu.memory_space<hbm>>
      tpu.wait_dma2 semaphore(%run_scoped3A_19 : memref<!tpu.dma_semaphore, #tpu.memory_space<semaphore_mem>>) src(%dma_wait3A_31 : memref<10000xi32, #tpu.memory_space<hbm>>) dst(%arg7 : memref<10000xi32, #tpu.memory_space<vmem>>)
      tpu.yield
    }) : () -> ()
    "tpu.region"() ({
      %run_scoped3A_19 = tpu.sem_alloc : memref<!tpu.dma_semaphore, #tpu.memory_space<semaphore_mem>>
      %dma_start3A_20 = arith.constant 0 : i32
      %dma_start3A_21 = arith.constant 0 : i32
      %dma_start3A_22 = tpu.memref_slice %arg4[%add3A, %dma_start3A_20, %dma_start3A_21] : memref<32x125x80xi32, #tpu.memory_space<hbm>> -> memref<1x125x80xi32, #tpu.memory_space<hbm>>
      %dma_start3A_23 = tpu.memref_squeeze %dma_start3A_22 : memref<1x125x80xi32, #tpu.memory_space<hbm>> -> memref<125x80xi32, #tpu.memory_space<hbm>>
      %dma_start3A_24 = arith.constant 0 : i32
      %dma_start3A_25 = arith.constant 0 : i32
      %dma_start3A_26 = tpu.memref_slice %arg4[%add3A, %dma_start3A_24, %dma_start3A_25] : memref<32x125x80xi32, #tpu.memory_space<hbm>> -> memref<1x125x80xi32, #tpu.memory_space<hbm>>
      %dma_start3A_27 = tpu.memref_squeeze %dma_start3A_26 : memref<1x125x80xi32, #tpu.memory_space<hbm>> -> memref<125x80xi32, #tpu.memory_space<hbm>>
      tpu.enqueue_dma source(%dma_start3A_27 : memref<125x80xi32, #tpu.memory_space<hbm>>) target(%arg8 : memref<125x80xi32, #tpu.memory_space<vmem>>) target_semaphore(%run_scoped3A_19 : memref<!tpu.dma_semaphore, #tpu.memory_space<semaphore_mem>>)
      %dma_wait3A_28 = arith.constant 0 : i32
      %dma_wait3A_29 = arith.constant 0 : i32
      %dma_wait3A_30 = tpu.memref_slice %arg4[%add3A, %dma_wait3A_28, %dma_wait3A_29] : memref<32x125x80xi32, #tpu.memory_space<hbm>> -> memref<1x125x80xi32, #tpu.memory_space<hbm>>
      %dma_wait3A_31 = tpu.memref_squeeze %dma_wait3A_30 : memref<1x125x80xi32, #tpu.memory_space<hbm>> -> memref<125x80xi32, #tpu.memory_space<hbm>>
      %dma_wait3A_32 = arith.constant 0 : i32
      %dma_wait3A_33 = arith.constant 0 : i32
      %dma_wait3A_34 = tpu.memref_slice %arg4[%add3A, %dma_wait3A_32, %dma_wait3A_33] : memref<32x125x80xi32, #tpu.memory_space<hbm>> -> memref<1x125x80xi32, #tpu.memory_space<hbm>>
      %dma_wait3A_35 = tpu.memref_squeeze %dma_wait3A_34 : memref<1x125x80xi32, #tpu.memory_space<hbm>> -> memref<125x80xi32, #tpu.memory_space<hbm>>
      tpu.wait_dma2 semaphore(%run_scoped3A_19 : memref<!tpu.dma_semaphore, #tpu.memory_space<semaphore_mem>>) src(%dma_wait3A_35 : memref<125x80xi32, #tpu.memory_space<hbm>>) dst(%arg8 : memref<125x80xi32, #tpu.memory_space<vmem>>)
      tpu.yield
    }) : () -> ()
    "tpu.region"() ({
      %run_scoped3A_19 = tpu.sem_alloc : memref<!tpu.dma_semaphore, #tpu.memory_space<semaphore_mem>>
      %dma_start3A_20 = arith.constant 0 : i32
      %dma_start3A_21 = tpu.memref_slice %arg11[%multiple_of3A, %dma_start3A_20] : memref<10112x128xf32, #tpu.memory_space<vmem_shared>> -> memref<632x128xf32, #tpu.memory_space<vmem_shared>>
      tpu.enqueue_dma source(%arg5 : memref<632x128xf32, #tpu.memory_space<hbm>>) target(%dma_start3A_21 : memref<632x128xf32, #tpu.memory_space<vmem_shared>>) target_semaphore(%run_scoped3A_19 : memref<!tpu.dma_semaphore, #tpu.memory_space<semaphore_mem>>)
      %dma_wait3A_22 = arith.constant 0 : i32
      %dma_wait3A_23 = tpu.memref_slice %arg11[%multiple_of3A, %dma_wait3A_22] : memref<10112x128xf32, #tpu.memory_space<vmem_shared>> -> memref<632x128xf32, #tpu.memory_space<vmem_shared>>
      tpu.wait_dma2 semaphore(%run_scoped3A_19 : memref<!tpu.dma_semaphore, #tpu.memory_space<semaphore_mem>>) src(%arg5 : memref<632x128xf32, #tpu.memory_space<hbm>>) dst(%dma_wait3A_23 : memref<632x128xf32, #tpu.memory_space<vmem_shared>>)
      tpu.yield
    }) : () -> ()
    %barrier3A = arith.constant 0 : index
    tpu.barrier barrier_id(%barrier3A)
    %multiple_of3A_3 = arith.constant 0 : i32
    %multiple_of3A_4 = tpu.assume_multiple %multiple_of3A_3, 8 : i32
    %dma_start3A = tpu.memref_slice %arg7[%multiple_of3A_4] : memref<10000xi32, #tpu.memory_space<vmem>> -> memref<80xi32, #tpu.memory_space<vmem>>
    %dma_start3A_5 = arith.constant 0 : i32
    %dma_start3A_6 = arith.constant 0 : i32
    %dma_start3A_7 = tpu.memref_slice %arg2[%dma_start3A_5, %dma_start3A_6] : memref<10000x128xf32, #tpu.memory_space<hbm>> -> memref<10000x128xf32, #tpu.memory_space<hbm>>
    tpu.enqueue_indirect_dma source(%dma_start3A_7 : memref<10000x128xf32, #tpu.memory_space<hbm>>) target(%arg9 : memref<80x128xf32, #tpu.memory_space<vmem>>) offsets(%dma_start3A : memref<80xi32, #tpu.memory_space<vmem>>) semaphore(%arg12 : memref<!tpu.dma_semaphore, #tpu.memory_space<semaphore_mem>>)
    %scan3A = arith.constant 0 : i32
    %scan3A_8 = arith.constant 0 : i32
    %scan3A_9 = arith.constant 62 : i32
    %scan3A_10 = arith.addi %scan3A_8, %scan3A_9 : i32
    %scan3A_11 = arith.constant 1 : i32
    scf.for %scan3A_19 = %scan3A_8 to %scan3A_10 step %scan3A_11  : i32 {
      %mul3A_20 = arith.constant 2 : i32
      %mul3A_21 = arith.muli %mul3A_20, %scan3A_19 : i32
      %add3A_22 = arith.constant 1 : i32
      %add3A_23 = arith.addi %mul3A_21, %add3A_22 : i32
      %mul3A_24 = arith.constant 80 : i32
      %mul3A_25 = arith.muli %add3A_23, %mul3A_24 : i32
      %multiple_of3A_26 = tpu.assume_multiple %mul3A_25, 8 : i32
      %dma_start3A_27 = tpu.memref_slice %arg7[%multiple_of3A_26] : memref<10000xi32, #tpu.memory_space<vmem>> -> memref<80xi32, #tpu.memory_space<vmem>>
      %dma_start3A_28 = arith.constant 0 : i32
      %dma_start3A_29 = arith.constant 0 : i32
      %dma_start3A_30 = tpu.memref_slice %arg2[%dma_start3A_28, %dma_start3A_29] : memref<10000x128xf32, #tpu.memory_space<hbm>> -> memref<10000x128xf32, #tpu.memory_space<hbm>>
      tpu.enqueue_indirect_dma source(%dma_start3A_30 : memref<10000x128xf32, #tpu.memory_space<hbm>>) target(%arg10 : memref<80x128xf32, #tpu.memory_space<vmem>>) offsets(%dma_start3A_27 : memref<80xi32, #tpu.memory_space<vmem>>) semaphore(%arg13 : memref<!tpu.dma_semaphore, #tpu.memory_space<semaphore_mem>>)
      %mul3A_31 = arith.constant 80 : i32
      %mul3A_32 = arith.muli %mul3A_21, %mul3A_31 : i32
      %multiple_of3A_33 = tpu.assume_multiple %mul3A_32, 8 : i32
      %dma_wait3A_34 = tpu.memref_slice %arg7[%multiple_of3A_33] : memref<10000xi32, #tpu.memory_space<vmem>> -> memref<80xi32, #tpu.memory_space<vmem>>
      %dma_wait3A_35 = arith.constant 0 : i32
      %dma_wait3A_36 = arith.constant 0 : i32
      %dma_wait3A_37 = tpu.memref_slice %arg2[%dma_wait3A_35, %dma_wait3A_36] : memref<10000x128xf32, #tpu.memory_space<hbm>> -> memref<10000x128xf32, #tpu.memory_space<hbm>>
      tpu.wait_indirect_dma semaphore(%arg12 : memref<!tpu.dma_semaphore, #tpu.memory_space<semaphore_mem>>) src(%dma_wait3A_37 : memref<10000x128xf32, #tpu.memory_space<hbm>>) dst(%arg9 : memref<80x128xf32, #tpu.memory_space<vmem>>)
      "tpu.region"() ({
        %run_scoped3A_58 = tpu.sem_alloc : memref<!tpu.dma_semaphore, #tpu.memory_space<semaphore_mem>>
        %dma_start3A_59 = arith.constant 0 : i32
        %dma_start3A_60 = tpu.memref_slice %arg8[%mul3A_21, %dma_start3A_59] : memref<125x80xi32, #tpu.memory_space<vmem>> -> memref<1x80xi32, #tpu.memory_space<vmem>>
        %dma_start3A_61 = tpu.memref_squeeze %dma_start3A_60 : memref<1x80xi32, #tpu.memory_space<vmem>> -> memref<80xi32, #tpu.memory_space<vmem>>
        %dma_start3A_62 = arith.constant 0 : i32
        %dma_start3A_63 = arith.constant 0 : i32
        %dma_start3A_64 = tpu.memref_slice %arg11[%dma_start3A_62, %dma_start3A_63] : memref<10112x128xf32, #tpu.memory_space<vmem_shared>> -> memref<10112x128xf32, #tpu.memory_space<vmem_shared>>
        tpu.enqueue_indirect_dma source(%arg9 : memref<80x128xf32, #tpu.memory_space<vmem>>) target(%dma_start3A_64 : memref<10112x128xf32, #tpu.memory_space<vmem_shared>>) offsets(%dma_start3A_61 : memref<80xi32, #tpu.memory_space<vmem>>) semaphore(%run_scoped3A_58 : memref<!tpu.dma_semaphore, #tpu.memory_space<semaphore_mem>>) {add = true}
        %dma_wait3A_65 = arith.constant 0 : i32
        %dma_wait3A_66 = tpu.memref_slice %arg8[%mul3A_21, %dma_wait3A_65] : memref<125x80xi32, #tpu.memory_space<vmem>> -> memref<1x80xi32, #tpu.memory_space<vmem>>
        %dma_wait3A_67 = tpu.memref_squeeze %dma_wait3A_66 : memref<1x80xi32, #tpu.memory_space<vmem>> -> memref<80xi32, #tpu.memory_space<vmem>>
        %dma_wait3A_68 = arith.constant 0 : i32
        %dma_wait3A_69 = arith.constant 0 : i32
        %dma_wait3A_70 = tpu.memref_slice %arg11[%dma_wait3A_68, %dma_wait3A_69] : memref<10112x128xf32, #tpu.memory_space<vmem_shared>> -> memref<10112x128xf32, #tpu.memory_space<vmem_shared>>
        tpu.wait_indirect_dma semaphore(%run_scoped3A_58 : memref<!tpu.dma_semaphore, #tpu.memory_space<semaphore_mem>>) src(%arg9 : memref<80x128xf32, #tpu.memory_space<vmem>>) dst(%dma_wait3A_70 : memref<10112x128xf32, #tpu.memory_space<vmem_shared>>)
        tpu.yield
      }) : () -> ()
      %add3A_38 = arith.constant 2 : i32
      %add3A_39 = arith.addi %mul3A_21, %add3A_38 : i32
      %mul3A_40 = arith.constant 80 : i32
      %mul3A_41 = arith.muli %add3A_39, %mul3A_40 : i32
      %multiple_of3A_42 = tpu.assume_multiple %mul3A_41, 8 : i32
      %dma_start3A_43 = tpu.memref_slice %arg7[%multiple_of3A_42] : memref<10000xi32, #tpu.memory_space<vmem>> -> memref<80xi32, #tpu.memory_space<vmem>>
      %dma_start3A_44 = arith.constant 0 : i32
      %dma_start3A_45 = arith.constant 0 : i32
      %dma_start3A_46 = tpu.memref_slice %arg2[%dma_start3A_44, %dma_start3A_45] : memref<10000x128xf32, #tpu.memory_space<hbm>> -> memref<10000x128xf32, #tpu.memory_space<hbm>>
      tpu.enqueue_indirect_dma source(%dma_start3A_46 : memref<10000x128xf32, #tpu.memory_space<hbm>>) target(%arg9 : memref<80x128xf32, #tpu.memory_space<vmem>>) offsets(%dma_start3A_43 : memref<80xi32, #tpu.memory_space<vmem>>) semaphore(%arg12 : memref<!tpu.dma_semaphore, #tpu.memory_space<semaphore_mem>>)
      %add3A_47 = arith.constant 1 : i32
      %add3A_48 = arith.addi %mul3A_21, %add3A_47 : i32
      %mul3A_49 = arith.constant 80 : i32
      %mul3A_50 = arith.muli %add3A_48, %mul3A_49 : i32
      %multiple_of3A_51 = tpu.assume_multiple %mul3A_50, 8 : i32
      %dma_wait3A_52 = tpu.memref_slice %arg7[%multiple_of3A_51] : memref<10000xi32, #tpu.memory_space<vmem>> -> memref<80xi32, #tpu.memory_space<vmem>>
      %dma_wait3A_53 = arith.constant 0 : i32
      %dma_wait3A_54 = arith.constant 0 : i32
      %dma_wait3A_55 = tpu.memref_slice %arg2[%dma_wait3A_53, %dma_wait3A_54] : memref<10000x128xf32, #tpu.memory_space<hbm>> -> memref<10000x128xf32, #tpu.memory_space<hbm>>
      tpu.wait_indirect_dma semaphore(%arg13 : memref<!tpu.dma_semaphore, #tpu.memory_space<semaphore_mem>>) src(%dma_wait3A_55 : memref<10000x128xf32, #tpu.memory_space<hbm>>) dst(%arg10 : memref<80x128xf32, #tpu.memory_space<vmem>>)
      %add3A_56 = arith.constant 1 : i32
      %add3A_57 = arith.addi %mul3A_21, %add3A_56 : i32
      "tpu.region"() ({
        %run_scoped3A_58 = tpu.sem_alloc : memref<!tpu.dma_semaphore, #tpu.memory_space<semaphore_mem>>
        %dma_start3A_59 = arith.constant 0 : i32
        %dma_start3A_60 = tpu.memref_slice %arg8[%add3A_57, %dma_start3A_59] : memref<125x80xi32, #tpu.memory_space<vmem>> -> memref<1x80xi32, #tpu.memory_space<vmem>>
        %dma_start3A_61 = tpu.memref_squeeze %dma_start3A_60 : memref<1x80xi32, #tpu.memory_space<vmem>> -> memref<80xi32, #tpu.memory_space<vmem>>
        %dma_start3A_62 = arith.constant 0 : i32
        %dma_start3A_63 = arith.constant 0 : i32
        %dma_start3A_64 = tpu.memref_slice %arg11[%dma_start3A_62, %dma_start3A_63] : memref<10112x128xf32, #tpu.memory_space<vmem_shared>> -> memref<10112x128xf32, #tpu.memory_space<vmem_shared>>
        tpu.enqueue_indirect_dma source(%arg10 : memref<80x128xf32, #tpu.memory_space<vmem>>) target(%dma_start3A_64 : memref<10112x128xf32, #tpu.memory_space<vmem_shared>>) offsets(%dma_start3A_61 : memref<80xi32, #tpu.memory_space<vmem>>) semaphore(%run_scoped3A_58 : memref<!tpu.dma_semaphore, #tpu.memory_space<semaphore_mem>>) {add = true}
        %dma_wait3A_65 = arith.constant 0 : i32
        %dma_wait3A_66 = tpu.memref_slice %arg8[%add3A_57, %dma_wait3A_65] : memref<125x80xi32, #tpu.memory_space<vmem>> -> memref<1x80xi32, #tpu.memory_space<vmem>>
        %dma_wait3A_67 = tpu.memref_squeeze %dma_wait3A_66 : memref<1x80xi32, #tpu.memory_space<vmem>> -> memref<80xi32, #tpu.memory_space<vmem>>
        %dma_wait3A_68 = arith.constant 0 : i32
        %dma_wait3A_69 = arith.constant 0 : i32
        %dma_wait3A_70 = tpu.memref_slice %arg11[%dma_wait3A_68, %dma_wait3A_69] : memref<10112x128xf32, #tpu.memory_space<vmem_shared>> -> memref<10112x128xf32, #tpu.memory_space<vmem_shared>>
        tpu.wait_indirect_dma semaphore(%run_scoped3A_58 : memref<!tpu.dma_semaphore, #tpu.memory_space<semaphore_mem>>) src(%arg10 : memref<80x128xf32, #tpu.memory_space<vmem>>) dst(%dma_wait3A_70 : memref<10112x128xf32, #tpu.memory_space<vmem_shared>>)
        tpu.yield
      }) : () -> ()
    }
    %scan3A_12 = arith.constant 62 : i32
    %multiple_of3A_13 = arith.constant 9920 : i32
    %multiple_of3A_14 = tpu.assume_multiple %multiple_of3A_13, 8 : i32
    %dma_wait3A = tpu.memref_slice %arg7[%multiple_of3A_14] : memref<10000xi32, #tpu.memory_space<vmem>> -> memref<80xi32, #tpu.memory_space<vmem>>
    %dma_wait3A_15 = arith.constant 0 : i32
    %dma_wait3A_16 = arith.constant 0 : i32
    %dma_wait3A_17 = tpu.memref_slice %arg2[%dma_wait3A_15, %dma_wait3A_16] : memref<10000x128xf32, #tpu.memory_space<hbm>> -> memref<10000x128xf32, #tpu.memory_space<hbm>>
    tpu.wait_indirect_dma semaphore(%arg12 : memref<!tpu.dma_semaphore, #tpu.memory_space<semaphore_mem>>) src(%dma_wait3A_17 : memref<10000x128xf32, #tpu.memory_space<hbm>>) dst(%arg9 : memref<80x128xf32, #tpu.memory_space<vmem>>)
    %run_scoped3A = arith.constant 124 : i32
    "tpu.region"() ({
      %run_scoped3A_19 = tpu.sem_alloc : memref<!tpu.dma_semaphore, #tpu.memory_space<semaphore_mem>>
      %dma_start3A_20 = arith.constant 0 : i32
      %dma_start3A_21 = tpu.memref_slice %arg8[%run_scoped3A, %dma_start3A_20] : memref<125x80xi32, #tpu.memory_space<vmem>> -> memref<1x80xi32, #tpu.memory_space<vmem>>
      %dma_start3A_22 = tpu.memref_squeeze %dma_start3A_21 : memref<1x80xi32, #tpu.memory_space<vmem>> -> memref<80xi32, #tpu.memory_space<vmem>>
      %dma_start3A_23 = arith.constant 0 : i32
      %dma_start3A_24 = arith.constant 0 : i32
      %dma_start3A_25 = tpu.memref_slice %arg11[%dma_start3A_23, %dma_start3A_24] : memref<10112x128xf32, #tpu.memory_space<vmem_shared>> -> memref<10112x128xf32, #tpu.memory_space<vmem_shared>>
      tpu.enqueue_indirect_dma source(%arg9 : memref<80x128xf32, #tpu.memory_space<vmem>>) target(%dma_start3A_25 : memref<10112x128xf32, #tpu.memory_space<vmem_shared>>) offsets(%dma_start3A_22 : memref<80xi32, #tpu.memory_space<vmem>>) semaphore(%run_scoped3A_19 : memref<!tpu.dma_semaphore, #tpu.memory_space<semaphore_mem>>) {add = true}
      %dma_wait3A_26 = arith.constant 0 : i32
      %dma_wait3A_27 = tpu.memref_slice %arg8[%run_scoped3A, %dma_wait3A_26] : memref<125x80xi32, #tpu.memory_space<vmem>> -> memref<1x80xi32, #tpu.memory_space<vmem>>
      %dma_wait3A_28 = tpu.memref_squeeze %dma_wait3A_27 : memref<1x80xi32, #tpu.memory_space<vmem>> -> memref<80xi32, #tpu.memory_space<vmem>>
      %dma_wait3A_29 = arith.constant 0 : i32
      %dma_wait3A_30 = arith.constant 0 : i32
      %dma_wait3A_31 = tpu.memref_slice %arg11[%dma_wait3A_29, %dma_wait3A_30] : memref<10112x128xf32, #tpu.memory_space<vmem_shared>> -> memref<10112x128xf32, #tpu.memory_space<vmem_shared>>
      tpu.wait_indirect_dma semaphore(%run_scoped3A_19 : memref<!tpu.dma_semaphore, #tpu.memory_space<semaphore_mem>>) src(%arg9 : memref<80x128xf32, #tpu.memory_space<vmem>>) dst(%dma_wait3A_31 : memref<10112x128xf32, #tpu.memory_space<vmem_shared>>)
      tpu.yield
    }) : () -> ()
    %barrier3A_18 = arith.constant 0 : index
    tpu.barrier barrier_id(%barrier3A_18)
    "tpu.region"() ({
      %run_scoped3A_19 = tpu.sem_alloc : memref<!tpu.dma_semaphore, #tpu.memory_space<semaphore_mem>>
      %dma_start3A_20 = arith.constant 0 : i32
      %dma_start3A_21 = tpu.memref_slice %arg6[%arg0, %multiple_of3A, %dma_start3A_20] : memref<2x10112x128xf32, #tpu.memory_space<hbm>> -> memref<1x632x128xf32, #tpu.memory_space<hbm>>
      %dma_start3A_22 = tpu.memref_squeeze %dma_start3A_21 : memref<1x632x128xf32, #tpu.memory_space<hbm>> -> memref<632x128xf32, #tpu.memory_space<hbm>>
      %dma_start3A_23 = arith.constant 0 : i32
      %dma_start3A_24 = tpu.memref_slice %arg11[%multiple_of3A, %dma_start3A_23] : memref<10112x128xf32, #tpu.memory_space<vmem_shared>> -> memref<632x128xf32, #tpu.memory_space<vmem_shared>>
      tpu.enqueue_dma source(%dma_start3A_24 : memref<632x128xf32, #tpu.memory_space<vmem_shared>>) target(%dma_start3A_22 : memref<632x128xf32, #tpu.memory_space<hbm>>) target_semaphore(%run_scoped3A_19 : memref<!tpu.dma_semaphore, #tpu.memory_space<semaphore_mem>>)
      %dma_wait3A_25 = arith.constant 0 : i32
      %dma_wait3A_26 = tpu.memref_slice %arg6[%arg0, %multiple_of3A, %dma_wait3A_25] : memref<2x10112x128xf32, #tpu.memory_space<hbm>> -> memref<1x632x128xf32, #tpu.memory_space<hbm>>
      %dma_wait3A_27 = tpu.memref_squeeze %dma_wait3A_26 : memref<1x632x128xf32, #tpu.memory_space<hbm>> -> memref<632x128xf32, #tpu.memory_space<hbm>>
      %dma_wait3A_28 = arith.constant 0 : i32
      %dma_wait3A_29 = tpu.memref_slice %arg11[%multiple_of3A, %dma_wait3A_28] : memref<10112x128xf32, #tpu.memory_space<vmem_shared>> -> memref<632x128xf32, #tpu.memory_space<vmem_shared>>
      tpu.wait_dma2 semaphore(%run_scoped3A_19 : memref<!tpu.dma_semaphore, #tpu.memory_space<semaphore_mem>>) src(%dma_wait3A_29 : memref<632x128xf32, #tpu.memory_space<vmem_shared>>) dst(%dma_wait3A_27 : memref<632x128xf32, #tpu.memory_space<hbm>>)
      tpu.yield
    }) : () -> ()
    return
  }
}

module attributes {stable_mosaic.version = 14 : i64} {
  func.func @_dense_film_body(%arg0: i32, %arg1: memref<1000x128xf32, #tpu.memory_space<vmem>>, %arg2: memref<128x128xf32, #tpu.memory_space<vmem>>, %arg3: memref<128x256xf32, #tpu.memory_space<vmem>>, %arg4: memref<1000x128xf32, #tpu.memory_space<vmem>>) attributes {dimension_semantics = [#tpu.dimension_semantics<arbitrary>], iteration_bounds = array<i64: 10>, scalar_prefetch = 0 : i64, scratch_operands = 0 : i64, tpu.core_type = #tpu.core_type<tc>, window_params = [{transform_indices = @transform_0, window_bounds = array<i64: 1000, 128>}, {pipeline_mode = #tpu.pipeline_mode<synchronous>, transform_indices = @transform_1, window_bounds = array<i64: 128, 128>}, {pipeline_mode = #tpu.pipeline_mode<synchronous>, transform_indices = @transform_2, window_bounds = array<i64: 128, 256>}, {transform_indices = @transform_3, window_bounds = array<i64: 1000, 128>}]} {
    %get3A = arith.constant 0 : index
    %get3A_0 = arith.constant 0 : index
    %get3A_1 = vector.load %arg1[%get3A, %get3A_0] : memref<1000x128xf32, #tpu.memory_space<vmem>>, vector<1000x128xf32>
    %get3A_2 = arith.constant 0 : index
    %get3A_3 = arith.constant 0 : index
    %get3A_4 = vector.load %arg2[%get3A_2, %get3A_3] : memref<128x128xf32, #tpu.memory_space<vmem>>, vector<128x128xf32>
    %dot_general3A = arith.constant dense<0.000000e+00> : vector<1000x128xf32>
    %dot_general3A_5 = tpu.matmul %get3A_1, %get3A_4, %dot_general3A {dimension_numbers = #tpu.dot_dimension_numbers<[1], [0], [0], [1], [0, 0, 1, 1], [], []>, transpose_lhs_hint = false} : vector<1000x128xf32>, vector<128x128xf32>, vector<1000x128xf32> -> vector<1000x128xf32>
    %get3A_6 = arith.constant 0 : index
    %get3A_7 = arith.constant 0 : index
    %get3A_8 = vector.load %arg3[%get3A_6, %get3A_7] : memref<128x256xf32, #tpu.memory_space<vmem>>, vector<128x256xf32>
    %dot_general3A_9 = arith.constant dense<0.000000e+00> : vector<1000x256xf32>
    %dot_general3A_10 = tpu.matmul %get3A_1, %get3A_8, %dot_general3A_9 {dimension_numbers = #tpu.dot_dimension_numbers<[1], [0], [0], [1], [0, 0, 1, 1], [], []>, transpose_lhs_hint = false} : vector<1000x128xf32>, vector<128x256xf32>, vector<1000x256xf32> -> vector<1000x256xf32>
    %slice3A = vector.extract_strided_slice %dot_general3A_10 {offsets = [0, 0], sizes = [1000, 128], strides = [1, 1]} : vector<1000x256xf32> to vector<1000x128xf32>
    %slice3A_11 = vector.extract_strided_slice %dot_general3A_10 {offsets = [0, 128], sizes = [1000, 128], strides = [1, 1]} : vector<1000x256xf32> to vector<1000x128xf32>
    %mul3A = arith.mulf %slice3A, %dot_general3A_5 : vector<1000x128xf32>
    %add3A = arith.addf %mul3A, %slice3A_11 : vector<1000x128xf32>
    %max3A = arith.constant 0.000000e+00 : f32
    %max3A_12 = vector.broadcast %max3A : f32 to vector<1000x128xf32>
    %max3A_13 = arith.maximumf %add3A, %max3A_12 : vector<1000x128xf32>
    %swap3A = arith.constant 0 : index
    %swap3A_14 = arith.constant 0 : index
    %swap3A_15 = vector.load %arg4[%swap3A, %swap3A_14] : memref<1000x128xf32, #tpu.memory_space<vmem>>, vector<1000x128xf32>
    tpu.vector_store %arg4[%swap3A, %swap3A_14], %max3A_13 {strides = array<i32>} : memref<1000x128xf32, #tpu.memory_space<vmem>>, vector<1000x128xf32>,
    return
  }
  func.func @transform_0(%arg0: i32) -> (i32, i32) {
    %c0_i32 = arith.constant 0 : i32
    %c0_i32_0 = arith.constant 0 : i32
    return %arg0, %c0_i32 : i32, i32
  }
  func.func @transform_1(%arg0: i32) -> (i32, i32) {
    %c0_i32 = arith.constant 0 : i32
    %c0_i32_0 = arith.constant 0 : i32
    %c0_i32_1 = arith.constant 0 : i32
    return %c0_i32, %c0_i32_0 : i32, i32
  }
  func.func @transform_2(%arg0: i32) -> (i32, i32) {
    %c0_i32 = arith.constant 0 : i32
    %c0_i32_0 = arith.constant 0 : i32
    %c0_i32_1 = arith.constant 0 : i32
    return %c0_i32, %c0_i32_0 : i32, i32
  }
  func.func @transform_3(%arg0: i32) -> (i32, i32) {
    %c0_i32 = arith.constant 0 : i32
    %c0_i32_0 = arith.constant 0 : i32
    return %arg0, %c0_i32 : i32, i32
  }
}

module attributes {stable_mosaic.version = 14 : i64} {
  func.func @_combine_ln_film_body(%arg0: i32, %arg1: memref<2x1000x128xf32, #tpu.memory_space<vmem>>, %arg2: memref<1x128xf32, #tpu.memory_space<vmem>>, %arg3: memref<1x128xf32, #tpu.memory_space<vmem>>, %arg4: memref<128x128xf32, #tpu.memory_space<vmem>>, %arg5: memref<128x256xf32, #tpu.memory_space<vmem>>, %arg6: memref<1000x128xf32, #tpu.memory_space<vmem>>) attributes {dimension_semantics = [#tpu.dimension_semantics<arbitrary>], iteration_bounds = array<i64: 10>, scalar_prefetch = 0 : i64, scratch_operands = 0 : i64, tpu.core_type = #tpu.core_type<tc>, window_params = [{transform_indices = @transform_0, window_bounds = array<i64: 2, 1000, 128>}, {pipeline_mode = #tpu.pipeline_mode<synchronous>, transform_indices = @transform_1, window_bounds = array<i64: 1, 128>}, {pipeline_mode = #tpu.pipeline_mode<synchronous>, transform_indices = @transform_2, window_bounds = array<i64: 1, 128>}, {pipeline_mode = #tpu.pipeline_mode<synchronous>, transform_indices = @transform_3, window_bounds = array<i64: 128, 128>}, {pipeline_mode = #tpu.pipeline_mode<synchronous>, transform_indices = @transform_4, window_bounds = array<i64: 128, 256>}, {transform_indices = @transform_5, window_bounds = array<i64: 1000, 128>}]} {
    %get3A = arith.constant 0 : index
    %get3A_0 = arith.constant 0 : index
    %get3A_1 = arith.constant 0 : index
    %get3A_2 = vector.load %arg1[%get3A, %get3A_0, %get3A_1] : memref<2x1000x128xf32, #tpu.memory_space<vmem>>, vector<2x1000x128xf32>
    %slice3A = vector.extract_strided_slice %get3A_2 {offsets = [0, 0, 0], sizes = [1, 1000, 128], strides = [1, 1, 1]} : vector<2x1000x128xf32> to vector<1x1000x128xf32>
    %squeeze3A = vector.shape_cast %slice3A : vector<1x1000x128xf32> to vector<1000x128xf32>
    %slice3A_3 = vector.extract_strided_slice %get3A_2 {offsets = [1, 0, 0], sizes = [1, 1000, 128], strides = [1, 1, 1]} : vector<2x1000x128xf32> to vector<1x1000x128xf32>
    %squeeze3A_4 = vector.shape_cast %slice3A_3 : vector<1x1000x128xf32> to vector<1000x128xf32>
    %add3A = arith.addf %squeeze3A, %squeeze3A_4 : vector<1000x128xf32>
    %get3A_5 = arith.constant 0 : index
    %get3A_6 = arith.constant 0 : index
    %get3A_7 = vector.load %arg2[%get3A_5, %get3A_6] : memref<1x128xf32, #tpu.memory_space<vmem>>, vector<1x128xf32>
    %get3A_8 = arith.constant 0 : index
    %get3A_9 = arith.constant 0 : index
    %get3A_10 = vector.load %arg3[%get3A_8, %get3A_9] : memref<1x128xf32, #tpu.memory_space<vmem>>, vector<1x128xf32>
    %reduce_sum3A = arith.constant dense<0.000000e+00> : vector<1000xf32>
    %reduce_sum3A_11 = vector.multi_reduction <add>, %add3A, %reduce_sum3A [1] : vector<1000x128xf32> to vector<1000xf32>
    %broadcast_in_dim3A = vector.shape_cast %reduce_sum3A_11 : vector<1000xf32> to vector<1000x1xf32>
    %div3A = arith.constant 1.280000e+02 : f32
    %div3A_12 = vector.broadcast %div3A : f32 to vector<1000x1xf32>
    %div3A_13 = arith.divf %broadcast_in_dim3A, %div3A_12 : vector<1000x1xf32>
    %jit3A = arith.constant 0 : i32
    %reduce_sum3A_14 = arith.constant dense<0.000000e+00> : vector<1000xf32>
    %reduce_sum3A_15 = vector.multi_reduction <add>, %add3A, %reduce_sum3A_14 [1] : vector<1000x128xf32> to vector<1000xf32>
    %broadcast_in_dim3A_16 = vector.shape_cast %reduce_sum3A_15 : vector<1000xf32> to vector<1000x1xf32>
    %div3A_17 = arith.constant 1.280000e+02 : f32
    %div3A_18 = vector.broadcast %div3A_17 : f32 to vector<1000x1xf32>
    %div3A_19 = arith.divf %broadcast_in_dim3A_16, %div3A_18 : vector<1000x1xf32>
    %sub3A = vector.broadcast %div3A_19 : vector<1000x1xf32> to vector<1000x128xf32>
    %sub3A_20 = arith.subf %add3A, %sub3A : vector<1000x128xf32>
    %square3A = arith.mulf %sub3A_20, %sub3A_20 : vector<1000x128xf32>
    %convert_element_type3A = arith.sitofp %jit3A : i32 to f32
    %sub3A_21 = arith.constant 1.280000e+02 : f32
    %sub3A_22 = arith.subf %sub3A_21, %convert_element_type3A : f32
    %reduce_sum3A_23 = arith.constant dense<0.000000e+00> : vector<1000xf32>
    %reduce_sum3A_24 = vector.multi_reduction <add>, %square3A, %reduce_sum3A_23 [1] : vector<1000x128xf32> to vector<1000xf32>
    %broadcast_in_dim3A_25 = vector.shape_cast %reduce_sum3A_24 : vector<1000xf32> to vector<1000x1xf32>
    %div3A_26 = vector.broadcast %sub3A_22 : f32 to vector<1000x1xf32>
    %div3A_27 = arith.divf %broadcast_in_dim3A_25, %div3A_26 : vector<1000x1xf32>
    %gt3A = arith.constant 0.000000e+00 : f32
    %gt3A_28 = arith.cmpf ogt, %sub3A_22, %gt3A : f32
    %jit3A_29 = arith.constant 0x7FC00000 : f32
    %broadcast_in_dim3A_30 = vector.broadcast %jit3A_29 : f32 to vector<1000x1xf32>
    %select_n3A = arith.select %gt3A_28, %div3A_27, %broadcast_in_dim3A_30 : vector<1000x1xf32>
    %sub3A_31 = vector.broadcast %div3A_13 : vector<1000x1xf32> to vector<1000x128xf32>
    %sub3A_32 = arith.subf %add3A, %sub3A_31 : vector<1000x128xf32>
    %add3A_33 = arith.constant 9.99999974E-6 : f32
    %add3A_34 = vector.broadcast %add3A_33 : f32 to vector<1000x1xf32>
    %add3A_35 = arith.addf %select_n3A, %add3A_34 : vector<1000x1xf32>
    %sqrt3A = math.sqrt %add3A_35 : vector<1000x1xf32>
    %div3A_36 = vector.broadcast %sqrt3A : vector<1000x1xf32> to vector<1000x128xf32>
    %div3A_37 = arith.divf %sub3A_32, %div3A_36 : vector<1000x128xf32>
    %mul3A = vector.broadcast %get3A_7 : vector<1x128xf32> to vector<1000x128xf32>
    %mul3A_38 = arith.mulf %div3A_37, %mul3A : vector<1000x128xf32>
    %add3A_39 = vector.broadcast %get3A_10 : vector<1x128xf32> to vector<1000x128xf32>
    %add3A_40 = arith.addf %mul3A_38, %add3A_39 : vector<1000x128xf32>
    %get3A_41 = arith.constant 0 : index
    %get3A_42 = arith.constant 0 : index
    %get3A_43 = vector.load %arg4[%get3A_41, %get3A_42] : memref<128x128xf32, #tpu.memory_space<vmem>>, vector<128x128xf32>
    %dot_general3A = arith.constant dense<0.000000e+00> : vector<1000x128xf32>
    %dot_general3A_44 = tpu.matmul %add3A_40, %get3A_43, %dot_general3A {dimension_numbers = #tpu.dot_dimension_numbers<[1], [0], [0], [1], [0, 0, 1, 1], [], []>, transpose_lhs_hint = false} : vector<1000x128xf32>, vector<128x128xf32>, vector<1000x128xf32> -> vector<1000x128xf32>
    %get3A_45 = arith.constant 0 : index
    %get3A_46 = arith.constant 0 : index
    %get3A_47 = vector.load %arg5[%get3A_45, %get3A_46] : memref<128x256xf32, #tpu.memory_space<vmem>>, vector<128x256xf32>
    %dot_general3A_48 = arith.constant dense<0.000000e+00> : vector<1000x256xf32>
    %dot_general3A_49 = tpu.matmul %add3A_40, %get3A_47, %dot_general3A_48 {dimension_numbers = #tpu.dot_dimension_numbers<[1], [0], [0], [1], [0, 0, 1, 1], [], []>, transpose_lhs_hint = false} : vector<1000x128xf32>, vector<128x256xf32>, vector<1000x256xf32> -> vector<1000x256xf32>
    %slice3A_50 = vector.extract_strided_slice %dot_general3A_49 {offsets = [0, 0], sizes = [1000, 128], strides = [1, 1]} : vector<1000x256xf32> to vector<1000x128xf32>
    %slice3A_51 = vector.extract_strided_slice %dot_general3A_49 {offsets = [0, 128], sizes = [1000, 128], strides = [1, 1]} : vector<1000x256xf32> to vector<1000x128xf32>
    %mul3A_52 = arith.mulf %slice3A_50, %dot_general3A_44 : vector<1000x128xf32>
    %add3A_53 = arith.addf %mul3A_52, %slice3A_51 : vector<1000x128xf32>
    %max3A = arith.constant 0.000000e+00 : f32
    %max3A_54 = vector.broadcast %max3A : f32 to vector<1000x128xf32>
    %max3A_55 = arith.maximumf %add3A_53, %max3A_54 : vector<1000x128xf32>
    %swap3A = arith.constant 0 : index
    %swap3A_56 = arith.constant 0 : index
    %swap3A_57 = vector.load %arg6[%swap3A, %swap3A_56] : memref<1000x128xf32, #tpu.memory_space<vmem>>, vector<1000x128xf32>
    tpu.vector_store %arg6[%swap3A, %swap3A_56], %max3A_55 {strides = array<i32>} : memref<1000x128xf32, #tpu.memory_space<vmem>>, vector<1000x128xf32>,
    return
  }
  func.func @transform_0(%arg0: i32) -> (i32, i32, i32) {
    %c0_i32 = arith.constant 0 : i32
    %c0_i32_0 = arith.constant 0 : i32
    %c0_i32_1 = arith.constant 0 : i32
    return %c0_i32, %arg0, %c0_i32_0 : i32, i32, i32
  }
  func.func @transform_1(%arg0: i32) -> (i32, i32) {
    %c0_i32 = arith.constant 0 : i32
    %c0_i32_0 = arith.constant 0 : i32
    %c0_i32_1 = arith.constant 0 : i32
    return %c0_i32, %c0_i32_0 : i32, i32
  }
  func.func @transform_2(%arg0: i32) -> (i32, i32) {
    %c0_i32 = arith.constant 0 : i32
    %c0_i32_0 = arith.constant 0 : i32
    %c0_i32_1 = arith.constant 0 : i32
    return %c0_i32, %c0_i32_0 : i32, i32
  }
  func.func @transform_3(%arg0: i32) -> (i32, i32) {
    %c0_i32 = arith.constant 0 : i32
    %c0_i32_0 = arith.constant 0 : i32
    %c0_i32_1 = arith.constant 0 : i32
    return %c0_i32, %c0_i32_0 : i32, i32
  }
  func.func @transform_4(%arg0: i32) -> (i32, i32) {
    %c0_i32 = arith.constant 0 : i32
    %c0_i32_0 = arith.constant 0 : i32
    %c0_i32_1 = arith.constant 0 : i32
    return %c0_i32, %c0_i32_0 : i32, i32
  }
  func.func @transform_5(%arg0: i32) -> (i32, i32) {
    %c0_i32 = arith.constant 0 : i32
    %c0_i32_0 = arith.constant 0 : i32
    return %arg0, %c0_i32 : i32, i32
  }
}

module attributes {stable_mosaic.version = 14 : i64} {
  func.func @_combine_ln_proj_body(%arg0: i32, %arg1: memref<2x1000x128xf32, #tpu.memory_space<vmem>>, %arg2: memref<1x128xf32, #tpu.memory_space<vmem>>, %arg3: memref<1x128xf32, #tpu.memory_space<vmem>>, %arg4: memref<128x128xf32, #tpu.memory_space<vmem>>, %arg5: memref<1x128xf32, #tpu.memory_space<vmem>>, %arg6: memref<1000x128xf32, #tpu.memory_space<vmem>>) attributes {dimension_semantics = [#tpu.dimension_semantics<arbitrary>], iteration_bounds = array<i64: 10>, scalar_prefetch = 0 : i64, scratch_operands = 0 : i64, tpu.core_type = #tpu.core_type<tc>, window_params = [{transform_indices = @transform_0, window_bounds = array<i64: 2, 1000, 128>}, {pipeline_mode = #tpu.pipeline_mode<synchronous>, transform_indices = @transform_1, window_bounds = array<i64: 1, 128>}, {pipeline_mode = #tpu.pipeline_mode<synchronous>, transform_indices = @transform_2, window_bounds = array<i64: 1, 128>}, {pipeline_mode = #tpu.pipeline_mode<synchronous>, transform_indices = @transform_3, window_bounds = array<i64: 128, 128>}, {pipeline_mode = #tpu.pipeline_mode<synchronous>, transform_indices = @transform_4, window_bounds = array<i64: 1, 128>}, {transform_indices = @transform_5, window_bounds = array<i64: 1000, 128>}]} {
    %get3A = arith.constant 0 : index
    %get3A_0 = arith.constant 0 : index
    %get3A_1 = arith.constant 0 : index
    %get3A_2 = vector.load %arg1[%get3A, %get3A_0, %get3A_1] : memref<2x1000x128xf32, #tpu.memory_space<vmem>>, vector<2x1000x128xf32>
    %slice3A = vector.extract_strided_slice %get3A_2 {offsets = [0, 0, 0], sizes = [1, 1000, 128], strides = [1, 1, 1]} : vector<2x1000x128xf32> to vector<1x1000x128xf32>
    %squeeze3A = vector.shape_cast %slice3A : vector<1x1000x128xf32> to vector<1000x128xf32>
    %slice3A_3 = vector.extract_strided_slice %get3A_2 {offsets = [1, 0, 0], sizes = [1, 1000, 128], strides = [1, 1, 1]} : vector<2x1000x128xf32> to vector<1x1000x128xf32>
    %squeeze3A_4 = vector.shape_cast %slice3A_3 : vector<1x1000x128xf32> to vector<1000x128xf32>
    %add3A = arith.addf %squeeze3A, %squeeze3A_4 : vector<1000x128xf32>
    %get3A_5 = arith.constant 0 : index
    %get3A_6 = arith.constant 0 : index
    %get3A_7 = vector.load %arg2[%get3A_5, %get3A_6] : memref<1x128xf32, #tpu.memory_space<vmem>>, vector<1x128xf32>
    %get3A_8 = arith.constant 0 : index
    %get3A_9 = arith.constant 0 : index
    %get3A_10 = vector.load %arg3[%get3A_8, %get3A_9] : memref<1x128xf32, #tpu.memory_space<vmem>>, vector<1x128xf32>
    %reduce_sum3A = arith.constant dense<0.000000e+00> : vector<1000xf32>
    %reduce_sum3A_11 = vector.multi_reduction <add>, %add3A, %reduce_sum3A [1] : vector<1000x128xf32> to vector<1000xf32>
    %broadcast_in_dim3A = vector.shape_cast %reduce_sum3A_11 : vector<1000xf32> to vector<1000x1xf32>
    %div3A = arith.constant 1.280000e+02 : f32
    %div3A_12 = vector.broadcast %div3A : f32 to vector<1000x1xf32>
    %div3A_13 = arith.divf %broadcast_in_dim3A, %div3A_12 : vector<1000x1xf32>
    %jit3A = arith.constant 0 : i32
    %reduce_sum3A_14 = arith.constant dense<0.000000e+00> : vector<1000xf32>
    %reduce_sum3A_15 = vector.multi_reduction <add>, %add3A, %reduce_sum3A_14 [1] : vector<1000x128xf32> to vector<1000xf32>
    %broadcast_in_dim3A_16 = vector.shape_cast %reduce_sum3A_15 : vector<1000xf32> to vector<1000x1xf32>
    %div3A_17 = arith.constant 1.280000e+02 : f32
    %div3A_18 = vector.broadcast %div3A_17 : f32 to vector<1000x1xf32>
    %div3A_19 = arith.divf %broadcast_in_dim3A_16, %div3A_18 : vector<1000x1xf32>
    %sub3A = vector.broadcast %div3A_19 : vector<1000x1xf32> to vector<1000x128xf32>
    %sub3A_20 = arith.subf %add3A, %sub3A : vector<1000x128xf32>
    %square3A = arith.mulf %sub3A_20, %sub3A_20 : vector<1000x128xf32>
    %convert_element_type3A = arith.sitofp %jit3A : i32 to f32
    %sub3A_21 = arith.constant 1.280000e+02 : f32
    %sub3A_22 = arith.subf %sub3A_21, %convert_element_type3A : f32
    %reduce_sum3A_23 = arith.constant dense<0.000000e+00> : vector<1000xf32>
    %reduce_sum3A_24 = vector.multi_reduction <add>, %square3A, %reduce_sum3A_23 [1] : vector<1000x128xf32> to vector<1000xf32>
    %broadcast_in_dim3A_25 = vector.shape_cast %reduce_sum3A_24 : vector<1000xf32> to vector<1000x1xf32>
    %div3A_26 = vector.broadcast %sub3A_22 : f32 to vector<1000x1xf32>
    %div3A_27 = arith.divf %broadcast_in_dim3A_25, %div3A_26 : vector<1000x1xf32>
    %gt3A = arith.constant 0.000000e+00 : f32
    %gt3A_28 = arith.cmpf ogt, %sub3A_22, %gt3A : f32
    %jit3A_29 = arith.constant 0x7FC00000 : f32
    %broadcast_in_dim3A_30 = vector.broadcast %jit3A_29 : f32 to vector<1000x1xf32>
    %select_n3A = arith.select %gt3A_28, %div3A_27, %broadcast_in_dim3A_30 : vector<1000x1xf32>
    %sub3A_31 = vector.broadcast %div3A_13 : vector<1000x1xf32> to vector<1000x128xf32>
    %sub3A_32 = arith.subf %add3A, %sub3A_31 : vector<1000x128xf32>
    %add3A_33 = arith.constant 9.99999974E-6 : f32
    %add3A_34 = vector.broadcast %add3A_33 : f32 to vector<1000x1xf32>
    %add3A_35 = arith.addf %select_n3A, %add3A_34 : vector<1000x1xf32>
    %sqrt3A = math.sqrt %add3A_35 : vector<1000x1xf32>
    %div3A_36 = vector.broadcast %sqrt3A : vector<1000x1xf32> to vector<1000x128xf32>
    %div3A_37 = arith.divf %sub3A_32, %div3A_36 : vector<1000x128xf32>
    %mul3A = vector.broadcast %get3A_7 : vector<1x128xf32> to vector<1000x128xf32>
    %mul3A_38 = arith.mulf %div3A_37, %mul3A : vector<1000x128xf32>
    %add3A_39 = vector.broadcast %get3A_10 : vector<1x128xf32> to vector<1000x128xf32>
    %add3A_40 = arith.addf %mul3A_38, %add3A_39 : vector<1000x128xf32>
    %get3A_41 = arith.constant 0 : index
    %get3A_42 = arith.constant 0 : index
    %get3A_43 = vector.load %arg4[%get3A_41, %get3A_42] : memref<128x128xf32, #tpu.memory_space<vmem>>, vector<128x128xf32>
    %dot_general3A = arith.constant dense<0.000000e+00> : vector<1000x128xf32>
    %dot_general3A_44 = tpu.matmul %add3A_40, %get3A_43, %dot_general3A {dimension_numbers = #tpu.dot_dimension_numbers<[1], [0], [0], [1], [0, 0, 1, 1], [], []>, transpose_lhs_hint = false} : vector<1000x128xf32>, vector<128x128xf32>, vector<1000x128xf32> -> vector<1000x128xf32>
    %get3A_45 = arith.constant 0 : index
    %get3A_46 = arith.constant 0 : index
    %get3A_47 = vector.load %arg5[%get3A_45, %get3A_46] : memref<1x128xf32, #tpu.memory_space<vmem>>, vector<1x128xf32>
    %add3A_48 = vector.broadcast %get3A_47 : vector<1x128xf32> to vector<1000x128xf32>
    %add3A_49 = arith.addf %dot_general3A_44, %add3A_48 : vector<1000x128xf32>
    %logistic3A = arith.negf %add3A_49 : vector<1000x128xf32>
    %logistic3A_50 = math.exp %logistic3A : vector<1000x128xf32>
    %logistic3A_51 = arith.constant 1.000000e+00 : f32
    %logistic3A_52 = vector.broadcast %logistic3A_51 : f32 to vector<1000x128xf32>
    %logistic3A_53 = arith.addf %logistic3A_52, %logistic3A_50 : vector<1000x128xf32>
    %logistic3A_54 = arith.divf %logistic3A_52, %logistic3A_53 : vector<1000x128xf32>
    %swap3A = arith.constant 0 : index
    %swap3A_55 = arith.constant 0 : index
    %swap3A_56 = vector.load %arg6[%swap3A, %swap3A_55] : memref<1000x128xf32, #tpu.memory_space<vmem>>, vector<1000x128xf32>
    tpu.vector_store %arg6[%swap3A, %swap3A_55], %logistic3A_54 {strides = array<i32>} : memref<1000x128xf32, #tpu.memory_space<vmem>>, vector<1000x128xf32>,
    return
  }
  func.func @transform_0(%arg0: i32) -> (i32, i32, i32) {
    %c0_i32 = arith.constant 0 : i32
    %c0_i32_0 = arith.constant 0 : i32
    %c0_i32_1 = arith.constant 0 : i32
    return %c0_i32, %arg0, %c0_i32_0 : i32, i32, i32
  }
  func.func @transform_1(%arg0: i32) -> (i32, i32) {
    %c0_i32 = arith.constant 0 : i32
    %c0_i32_0 = arith.constant 0 : i32
    %c0_i32_1 = arith.constant 0 : i32
    return %c0_i32, %c0_i32_0 : i32, i32
  }
  func.func @transform_2(%arg0: i32) -> (i32, i32) {
    %c0_i32 = arith.constant 0 : i32
    %c0_i32_0 = arith.constant 0 : i32
    %c0_i32_1 = arith.constant 0 : i32
    return %c0_i32, %c0_i32_0 : i32, i32
  }
  func.func @transform_3(%arg0: i32) -> (i32, i32) {
    %c0_i32 = arith.constant 0 : i32
    %c0_i32_0 = arith.constant 0 : i32
    %c0_i32_1 = arith.constant 0 : i32
    return %c0_i32, %c0_i32_0 : i32, i32
  }
  func.func @transform_4(%arg0: i32) -> (i32, i32) {
    %c0_i32 = arith.constant 0 : i32
    %c0_i32_0 = arith.constant 0 : i32
    %c0_i32_1 = arith.constant 0 : i32
    return %c0_i32, %c0_i32_0 : i32, i32
  }
  func.func @transform_5(%arg0: i32) -> (i32, i32) {
    %c0_i32 = arith.constant 0 : i32
    %c0_i32_0 = arith.constant 0 : i32
    return %arg0, %c0_i32 : i32, i32
  }
}

</mosaic_0001>

<sc_bundles>
// kernel: kernel.10.cloned.1.call-start
scs
__scs_entry_jumppad:
0x0: {  	(pc) =	sbr.rel $0x88, $3  }
0x1: {  	(tag) =	ssettag $0x0;
	lr =	simm.s32 $0x1  }
0x2: {  	[smem:$0x3F95] =	sst lr;
	_ =	strace $0xD0000000  }
0x3: {  	_ = 	snop  }
0x4: {  	_ = 	snop  }
0x5: {  	_ = 	snop  }
0x6: {  	_ = 	snop  }
0x7: {  	_ = 	snop  }
__scs_overlays_trampoline_lowered:
0x8: {  	[smem:$0x3FA4] =	sst s0  }
0x9: {  	[smem:$0x3FA5] =	sst s1  }
0xa: {  	[smem:$0x3FA6] =	sst s2  }
0xb: {  	[smem:$0x3FA7] =	sst s3  }
0xc: {  	[smem:$0x3FA8] =	sst s4  }
0xd: {  	[smem:$0x3FA9] =	sst s5  }
0xe: {  	[smem:$0x3FAA] =	sst s6  }
0xf: {  	[smem:$0x3FAB] =	sst s7  }
0x10: {  	[smem:$0x3FAC] =	sst s8  }
0x11: {  	[smem:$0x3FAD] =	sst s9;
	s0 =	simm.s32 @!p0 $0x0  }
0x12: {  	s1 =	sld [smem:$0x3F93];
	s0 =	simm.s32 @p0 $0x1  }
0x13: {  	[smem:$0x3FAE] =	sst s0;
	s0 =	simm.s32 @!p1 $0x0  }
0x14: {  	s2 =	sld [smem:$0x3F92];
	s0 =	simm.s32 @p1 $0x1  }
0x15: {  	[smem:$0x3FAF] =	sst s0;
	s0 =	simm.s32 @!p2 $0x0  }
0x16: {  	s3 =	sld [smem:$0x3FDB];
	s0 =	simm.s32 @p2 $0x1  }
0x17: {  	s4 =	simm.s32 $0x1BF5;
	[smem:$0x3FB1] =	sst s0  }
0x18: {  	s0 =	sld [smem:$0x3F94];
	_ =	swait.ge [sflag:s4], $0x0  }
0x19: {  	s7 =	sld [smem:$0x3F95]  }
0x1a: {  	s8 =	sadd.s32 $0xFFFFE003, lr  }
0x1b: {  	s9 =	sadd.s32 $0xFFFFFEF7, lr;
	s5 =	simm.s32 $0xFFFFFFFF;
	p2 =	slt.u32 s8, $0xFFFFF086  }
0x1c: {  	p1 =	slt.u32 s9, $0xF7A;
	s5 =	simm.s32 @!p2 $0x0  }
0x1d: {  	s5 =	simm.s32 @p1 $0x1;
	p0 =	seq.s32 s7, s2  }
0x1e: {  	s7 =	smul.u32 @!p0 $0xF7A, s2;
	p2 =	seq.s32 @!p0 s5, $0x0  }
0x1f: {  	s9 =	smul.u32 $0xF7A, s1;
	s8 =	simm.s32 @!p0 $0x1BF5;
	p2 =	por !p2, p0  }
0x20: {  	[sflag:s8] =	ssyncset.s32 @!p0 $0xFFFFF086;
	s6 =	sadd.s32 @!p0 s3, s7;
	s7 =	simm.s32 @!p0 $0x108  }
0x21: {  	s3 =	sadd.s32 s3, s9;
	s6 =	sadd.s32 @!p0 $0x88, s6;
	s7 =	simm.s32 @p2 $0x1082  }
0x22: {  	[simem:s7], [sflag:s8] =	dma.local @!p0 [hbm:s6], $0xF7A  }
0x23: {  	s9 =	sor.u32 $0xD0000000, s2;
	s6 =	simm.s32 $0x108;
	_ =	swait.ge @!p0 [sflag:s8], $0x0  }
0x24: {  	s3 =	sadd.s32 $0x88, s3;
	s6 =	simm.s32 @!p1 $0x1082;
	[sflag:s4] =	ssyncset.s32 $0xFFFFF086  }
0x25: {  	[simem:s6], [sflag:s4] =	dma.local [hbm:s3], $0xF7A  }
0x26: {  	[smem:$0x3F95] =	sst s1;
	(tag) =	ssettag s2;
	_ =	strace s9  }
0x27: {  	s1 =	sld [smem:$0x3FA5]  }
0x28: {  	s2 =	sld [smem:$0x3FA6]  }
0x29: {  	s4 =	sld [smem:$0x3FA8]  }
0x2a: {  	p0 =	seq.s32 s5, $0x0;
	s5 =	sld [smem:$0x3FA9]  }
0x2b: {  	s6 =	sld [smem:$0x3FAA]  }
0x2c: {  	s7 =	sld [smem:$0x3FAB]  }
0x2d: {  	s3 =	simm.s32 $0x108;
	s8 =	sld [smem:$0x3FAC]  }
0x2e: {  	s3 =	simm.s32 @!p0 $0x1082;
	s9 =	sld [smem:$0x3FAD]  }
0x2f: {  	lr =	sadd.s32 s0, s3;
	s0 =	sld [smem:$0x3FA4]  }
0x30: {  	s3 =	sld [smem:$0x3FA7]  }
0x31: {  	[smem:$0x3FB0] =	sst s10  }
0x32: {  	s10 =	sld [smem:$0x3FAE];
	_ =	sdelay $0x3  }
0x33: {  	p0 =	seq.s32 s10, $0x1;
	s10 =	sld [smem:$0x3FB0];
	_ =	sdelay $0x3  }
0x34: {  	[smem:$0x3FB0] =	sst s10  }
0x35: {  	s10 =	sld [smem:$0x3FAF];
	_ =	sdelay $0x3  }
0x36: {  	p1 =	seq.s32 s10, $0x1;
	s10 =	sld [smem:$0x3FB0];
	_ =	sdelay $0x3  }
0x37: {  	[smem:$0x3FB0] =	sst s10  }
0x38: {  	s10 =	sld [smem:$0x3FB1]  }
0x39: {  	_ = 	snop;
	(pc) =	sbr.ind lr, $3  }
0x3a: {  	_ = 	snop  }
0x3b: {  	_ = 	snop  }
0x3c: {  	p2 =	seq.s32 s10, $0x1;
	s10 =	sld [smem:$0x3FB0]  }
0x3d: {  	_ =	shalt  }
0x3e: {  	_ =	shalt  }
0x3f: {  	_ =	shalt  }
0x40: {  	_ =	shalt  }
0x41: {  	_ =	shalt  }
0x42: {  	_ =	shalt  }
0x43: {  	_ =	shalt  }
0x44: {  	_ =	shalt  }
0x45: {  	_ =	shalt  }
0x46: {  	_ =	shalt  }
0x47: {  	_ =	shalt  }
0x48: {  	_ =	shalt  }
0x49: {  	_ =	shalt  }
0x4a: {  	_ =	shalt  }
0x4b: {  	_ =	shalt  }
0x4c: {  	_ =	shalt  }
0x4d: {  	_ =	shalt  }
0x4e: {  	_ =	shalt  }
0x4f: {  	_ =	shalt  }
0x50: {  	_ =	shalt  }
0x51: {  	_ =	shalt  }
0x52: {  	_ =	shalt  }
0x53: {  	_ =	shalt  }
0x54: {  	_ =	shalt  }
0x55: {  	_ =	shalt  }
0x56: {  	_ =	shalt  }
0x57: {  	_ =	shalt  }
0x58: {  	_ =	shalt  }
0x59: {  	_ =	shalt  }
0x5a: {  	_ =	shalt  }
0x5b: {  	_ =	shalt  }
0x5c: {  	_ =	shalt  }
0x5d: {  	_ =	shalt  }
0x5e: {  	_ =	shalt  }
0x5f: {  	_ =	shalt  }
0x60: {  	_ =	shalt  }
0x61: {  	_ =	shalt  }
0x62: {  	_ =	shalt  }
0x63: {  	_ =	shalt  }
0x64: {  	_ =	shalt  }
0x65: {  	_ =	shalt  }
0x66: {  	_ =	shalt  }
0x67: {  	_ =	shalt  }
0x68: {  	_ =	shalt  }
0x69: {  	_ =	shalt  }
0x6a: {  	_ =	shalt  }
0x6b: {  	_ =	shalt  }
0x6c: {  	_ =	shalt  }
0x6d: {  	_ =	shalt  }
0x6e: {  	_ =	shalt  }
0x6f: {  	_ =	shalt  }
0x70: {  	_ =	shalt  }
0x71: {  	_ =	shalt  }
0x72: {  	_ =	shalt  }
0x73: {  	_ =	shalt  }
0x74: {  	_ =	shalt  }
0x75: {  	_ =	shalt  }
0x76: {  	_ =	shalt  }
0x77: {  	_ =	shalt  }
0x78: {  	_ =	shalt  }
0x79: {  	_ =	shalt  }
0x7a: {  	_ =	shalt  }
0x7b: {  	_ =	shalt  }
0x7c: {  	_ =	shalt  }
0x7d: {  	_ =	shalt  }
0x7e: {  	_ =	shalt  }
0x7f: {  	_ =	shalt  }
0x80: {  	_ =	shalt  }
0x81: {  	_ =	shalt  }
0x82: {  	_ =	shalt  }
0x83: {  	_ =	shalt  }
0x84: {  	_ =	shalt  }
0x85: {  	_ =	shalt  }
0x86: {  	_ =	shalt  }
0x87: {  	_ =	shalt  }
.Lfunc_end0:
.L_simem_size_0:
called_computation.1_lowered:
.L_overlay_start_0:
0x88: {  	s2 =	sld [smem:$0x3FD9]  }
0x89: {  	s3 =	sld [smem:$0x3FFE];
	_ =	sdelay $0x1  }
0x8a: {  	s1 =	srdreg.scid  }
0x8b: {  	s0 =	sand.u32 $0x1, s1  }
0x8c: {  	s17 =	sshll.u32 s0, $0xA;
	s2 =	sadd.s32 s3, s2  }
0x8d: {  	s2 =	sadd.s32 s2, s17  }
0x8e: {  	[smem:$0x3FBC] =	sst s2  }
0x8f: {  	_ = 	snop  }
0x90: {  	s2 =	sld [smem:$0x3FD0];
	(tm) =	ssettm $0x1  }
0x91: {  	s18 =	sld [smem:$0x3FFB];
	_ =	sdelay $0x3  }
0x92: {  	_ =	strace s18  }
0x93: {  	s3 =	sld [smem:$0x3FFC];
	_ =	sdelay $0x3  }
0x94: {  	_ =	strace s3  }
0x95: {  	s3 =	sld [smem:$0x3FFD];
	_ =	sdelay $0x3  }
0x96: {  	_ =	strace s3  }
0x97: {  	_ =	strace $0x8FFFFFFF  }
0x98: {  	s19 =	sld [smem:$0x3FDB];
	_ =	sdelay $0x1  }
0x99: {  	s4 =	simm.s32 $_scs_section_size  }
0x9a: {  	s5 =	simm.s32 $_size__tile_overlayer_lowered;
	s6 =	simm.s32 $_tile_overlayer_lowered  }
0x9b: {  	s22 =	simm.s32 $0x1BFF;
	s21 =	sshll.u32 s6, $0x1;
	s3 =	sadd.s32 s4, s19  }
0x9c: {  	s7 =	simm.s32 $0x0;
	s20 =	sshll.u32 s5, $0x1;
	s5 =	sadd.s32 s21, s3  }
0x9d: {  	[timem:s7], [sflag:s22] =	dma.local [hbm:s5], s20  }
0x9e: {  	_ =	swait.ge [sflag:s22], s20  }
0x9f: {  	s4 =	ssub.s32 $0x0, s20;
	[sflag:s22] =	ssyncset.done $0x0  }
0xa0: {  	[sflag:s22] =	ssyncadd.s32 s4;
	_ =	sdelay $0x1  }
0xa1: {  	s23 =	simm.s32 $0x1B8B  }
0xa2: {  	_ =	swait.ge [sflag:s23], $0x1  }
0xa3: {  	[sflag:s23] =	ssyncset.done $0x0  }
0xa4: {  	s25 =	simm.s32 $0x1B8E;
	s24 =	sld [smem:$0x3FFE];
	[sflag:s23] =	ssyncadd.s32 $0xFFFFFFFF  }
0xa5: {  	s26 =	simm.s32 $execute0_lowered;
	[smem:$0x3FD2] =	sst s25  }
0xa6: {  	s5 =	sshll.u32 s26, $0x1;
	_ =	strace $0x80000049;
	[dreg:$0x1] =	wrdreg $0xFFFFFFFF  }
0xa7: {  	s28 =	simm.s32 $_size_execute0_lowered;
	s3 =	sadd.s32 s3, s5;
	[dreg:$0x0] =	wrdreg $0x0  }
0xa8: {  	s5 =	sshll.u32 s28, $0x1;
	[dreg:$0x2] =	wrdreg s3  }
0xa9: {  	[dreg:$0x3] =	wrdreg s5  }
0xaa: {  	[dreg:$0x4] =	wrdreg $0xC0  }
0xab: {  	_ =	task [dreg:s7], $0x5FFFF  }
0xac: {  	[dreg:$0x1] =	wrdreg $0xFFFFFFFF  }
0xad: {  	[dreg:$0x0] =	wrdreg $0x60  }
0xae: {  	[dreg:$0x2] =	wrdreg s2  }
0xaf: {  	[dreg:$0x3] =	wrdreg s24  }
0xb0: {  	[dreg:$0x4] =	wrdreg $0xB7800  }
0xb1: {  	[dreg:$0x5] =	wrdreg $0x9  }
0xb2: {  	_ =	task.clear_ibuf [dreg:s7], $0x6FFFF;
	_ =	strace $0x90000049  }
0xb3: {  	s29 =	simm.s32 $0x9;
	_ =	strace $0x8000004B  }
0xb4: {  	_ =	swait.ge [sflag:s29], $0x1  }
0xb5: {  	[sflag:s29] =	ssyncadd.s32 $0xFFFFFFFF  }
0xb6: {  	_ =	strace $0x9000004B  }
0xb7: {  	_ =	sfence  }
0xb8: {  	s30 =	sld [smem:$0x0];
	_ =	sdelay $0x2  }
0xb9: {  	s31 =	sshll.u32 s1, $0xD;
	s1 =	sshrl.u32 s1, $0x2  }
0xba: {  	s3 =	sand.u32 $0x4000, s31;
	s1 =	sadd.s32 s1, s30  }
0xbb: {  	s0 =	sor.u32 s3, s0;
	s1 =	sshll.u32 s1, $0x11  }
0xbc: {  	s0 =	sor.u32 s1, s0  }
0xbd: {  	s0 =	sadd.s32 $0x8F2B, s0  }
0xbe: {  	[sflag:s0] =	ssyncadd.remote.s32 $0x1  }
0xbf: {  	_ =	sfence.sel $0xFFFF  }
0xc0: {  	[dreg:$0x0] =	wrdreg $0xFFFFFFFF;
	(pc) =	sbr.abs _section_cstart, $3  }
0xc1: {  	[dreg:$0x1] =	wrdreg $0xFFFFFFFF  }
0xc2: {  	_ =	task.clear_ibuf [dreg:s7], $0x2FFFF;
	_ =	strace $0x9FFFFFFF  }
0xc3: {  	(tm) =	ssettm $0x7FFFFFFF  }
tec
execute0_lowered:
.L_overlay_start_1:
0x0: {  	(tag) =	ssettag $0x1  }
0x1: {  	s1 =	rddreg [dreg:$0x0]  }
0x2: {  	s0 =	srdreg.scid;
	s6 =	rddreg [dreg:$0x1]  }
0x3: {  	s3 =	rddreg [dreg:$0x2];
	s12 =	simm.s32 $0x3;
	s13 =	simm.s32 $0x2780  }
0x4: {  	s16 =	simm.s32 $0x50;
	s17 =	simm.s32 $0x6780;
	s18 =	simm.s32 $0x8F80  }
0x5: {  	s19 =	simm.s32 $0x1;
	s20 =	simm.s32 $0x2;
	s5 =	sand.u32 $0x1, s0  }
0x6: {  	s21 =	simm.s32 $0x6580;
	s0 =	stileid.u32;
	s10 =	smul.u32 $0x13C000, s5  }
0x7: {  	s22 =	simm.s32 $0x0;
	s2 =	sshll.u32 s5, $0x4;
	s28 =	smul.u32 $0x13C00, s0  }
0x8: {  	s9 =	sshll.u32 s0, $0x7;
	s29 =	ssub.s32 $0x2, s5;
	s11 =	smul.u32 $0x4F000, s0  }
0x9: {  	s5 =	sadd.s32 $0x1BC00, s6;
	s14 =	sshll.u32 s0, $0x6;
	s7 =	sor.u32 s0, s2  }
0xa: {  	s2 =	rddreg [dreg:$0x3];
	s9 =	sand.u32 $0x380, s9;
	s30 =	sshrl.u32 s29, $0x1  }
0xb: {  	s14 =	sor.u32 $0x1C03, s14;
	s4 =	sshrl.u32 s7, $0x3;
	s7 =	sshll.u32 s7, $0xB  }
0xc: {  	s31 =	sshrl.u32 s11, $0x2;
	s11 =	simm.s32 $0x400;
	s8 =	smul.u32 $0x13C00, s4  }
0xd: {  	s4 =	simm.s32 $0x0;
	s7 =	sadd.s32 s7, s6;
	s15 =	sadd.s32 s31, s3  }
0xe: {  	[smem:$0x7FF] =	sst s4;
	s7 =	sadd.s32 $0x1E00, s7;
	s8 =	sor.u32 s9, s8  }
0xf: {  	s15 =	sshrl.u32 s15, $0x3;
	s9 =	sadd.s32 s28, s10;
	s8 =	sshrl.u32 s8, $0x3  }
0x10: {  	_ =	strace $0x8000004A;
	s9 =	sshrl.u32 s9, $0x3;
	s8 =	sadd.s32 s8, s6  }
0x11: {  	s10 =	ssub.s32 s29, s30;
	s9 =	sadd.s32 s9, s6;
	s6 =	sadd.s32 $0x11E00, s8  }
0x12: {  	s8 =	sadd.s32 $0x1E400, s9;
	s9 =	smax.u32 s10, $0x1;
	s10 =	simm.s32 $0x80  }
.LBB2_1:
0x13: {  	[tilespmem:s4], [sflag:$0x3] =	stream.strided.gather [hbm4b:s6+s10], $0x2780, s11, s10, $0x38;
	[tilespmem:$0x1F380] =	vst v63  }
0x14: {  	_ =	swait.ge [sflag:s12], $0x2780  }
0x15: {  	[sflag:s12] =	ssyncset.done $0x0  }
0x16: {  	[sflag:s12] =	ssyncadd.s32 $0xFFFFD880  }
0x17: {  	[tilespmem:s13], [sflag:$0x3] =	stream.linear.gather [hbm4b:s7+s4], $0x3E80, $0x38;
	[tilespmem:$0x1F380] =	vst v63  }
0x18: {  	_ =	swait.ge [sflag:s12], $0x3E80  }
0x19: {  	[sflag:s12] =	ssyncset.done $0x0  }
0x1a: {  	[sflag:s12] =	ssyncadd.s32 $0xFFFFC180  }
0x1b: {  	[spmem:s15], [sflag:s14] =	dma.local [hbm:s5], $0x2780  }
0x1c: {  	_ =	swait.ge [sflag:s12], $0x2780  }
0x1d: {  	[sflag:s12] =	ssyncset.done $0x0  }
0x1e: {  	[sflag:s12] =	ssyncadd.s32 $0xFFFFD880  }
0x1f: {  	[bflag:$0x0] =	sbarrier.arrive $0xFFFF  }
0x20: {  	[tilespmem:s17], [sflag:$0x1] =	stream.indirect.gather [hbm4b:s1+s16], $0x80, s4, s16, $0xb8;
	[tilespmem:$0x1F380] =	vst v63  }
0x21: {  	s23 =	simm.s32 $0x50  }
0x22: {  	[tilespmem:s18], [sflag:$0x2] =	stream.indirect.gather [hbm4b:s1+s16], $0x80, s23, s16, $0xb8;
	[tilespmem:$0x1F380] =	vst v63  }
0x23: {  	_ =	swait.ge [sflag:s19], $0x2800  }
0x24: {  	[sflag:s19] =	ssyncset.done $0x0  }
0x25: {  	s29 =	simm.s32 $0x2780;
	[sflag:s19] =	ssyncadd.s32 $0xFFFFD800  }
0x26: {  	[spmem:s3] =	stream.indirect.scatter.add.f32 [tilespmem:s17], [sflag:$0x3], $0x80, s29, s16, $0xb8;
	[tilespmem:$0x1F380] =	vst v63  }
0x27: {  	_ =	swait.ge [sflag:s12], $0x2800  }
0x28: {  	[sflag:s12] =	ssyncset.done $0x0  }
0x29: {  	s30 =	simm.s32 $0xA0;
	[sflag:s12] =	ssyncadd.s32 $0xFFFFD800  }
0x2a: {  	[tilespmem:s17], [sflag:$0x1] =	stream.indirect.gather [hbm4b:s1+s16], $0x80, s30, s16, $0xb8;
	[tilespmem:$0x1F380] =	vst v63  }
0x2b: {  	_ =	swait.ge [sflag:s20], $0x2800  }
0x2c: {  	[sflag:s20] =	ssyncset.done $0x0  }
0x2d: {  	s31 =	simm.s32 $0x2800;
	[sflag:s20] =	ssyncadd.s32 $0xFFFFD800  }
0x2e: {  	[spmem:s3] =	stream.indirect.scatter.add.f32 [tilespmem:s18], [sflag:$0x3], $0x80, s31, s16, $0xb8;
	[tilespmem:$0x1F380] =	vst v63  }
0x2f: {  	s24 =	simm.s32 $0x400;
	_ =	swait.ge [sflag:s12], $0x2800  }
0x30: {  	s25 =	simm.s32 $0x800;
	s23 =	simm.s32 $0x140;
	[sflag:s12] =	ssyncset.done $0x0  }
.LBB2_2:
0x31: {  	p0 =	sne.s32 s25, $0xF400;
	s26 =	sadd.s32 $0xFFFFFFB0, s23;
	[sflag:s12] =	ssyncadd.s32 $0xFFFFD800  }
0x32: {  	[tilespmem:s18], [sflag:$0x2] =	stream.indirect.gather [hbm4b:s1+s16], $0x80, s26, s16, $0xb8;
	[tilespmem:$0x1F380] =	vst v63  }
0x33: {  	s26 =	smov.u32 s25;
	s25 =	sadd.s32 $0x400, s25;
	_ =	swait.ge [sflag:s19], $0x2800  }
0x34: {  	s28 =	sshra.s32 s24, $0x2;
	s24 =	smov.u32 s26;
	[sflag:s19] =	ssyncset.done $0x0  }
0x35: {  	s26 =	sadd.s32 $0x2780, s28;
	[sflag:s19] =	ssyncadd.s32 $0xFFFFD800  }
0x36: {  	[spmem:s3] =	stream.indirect.scatter.add.f32 [tilespmem:s17], [sflag:$0x3], $0x80, s26, s16, $0xb8;
	[tilespmem:$0x1F380] =	vst v63  }
0x37: {  	_ =	swait.ge [sflag:s12], $0x2800  }
0x38: {  	[sflag:s12] =	ssyncset.done $0x0  }
0x39: {  	[sflag:s12] =	ssyncadd.s32 $0xFFFFD800  }
0x3a: {  	[tilespmem:s17], [sflag:$0x1] =	stream.indirect.gather [hbm4b:s1+s16], $0x80, s23, s16, $0xb8;
	[tilespmem:$0x1F380] =	vst v63  }
0x3b: {  	_ =	swait.ge [sflag:s20], $0x2800  }
.Ltmp0:
0x3c: {  	[sflag:s20] =	ssyncset.done $0x0;
	(pc) =	sbr.rel @p0 .LBB2_2-.Ltmp0, $4  }
0x3d: {  	s26 =	sadd.s32 $0x2800, s28;
	[sflag:s20] =	ssyncadd.s32 $0xFFFFD800  }
0x3e: {  	[spmem:s3] =	stream.indirect.scatter.add.f32 [tilespmem:s18], [sflag:$0x3], $0x80, s26, s16, $0xb8;
	[tilespmem:$0x1F380] =	vst v63  }
0x3f: {  	_ =	swait.ge [sflag:s12], $0x2800  }
0x40: {  	s23 =	sadd.s32 $0xA0, s23;
	[sflag:s12] =	ssyncset.done $0x0  }
0x41: {  	s25 =	sadd.s32 $0xFFFFFFB0, s23;
	[sflag:s12] =	ssyncadd.s32 $0xFFFFD800  }
0x42: {  	[tilespmem:s18], [sflag:$0x2] =	stream.indirect.gather [hbm4b:s1+s16], $0x80, s25, s16, $0xb8;
	[tilespmem:$0x1F380] =	vst v63  }
0x43: {  	_ =	swait.ge [sflag:s19], $0x2800  }
0x44: {  	s24 =	sshra.s32 s24, $0x2;
	[sflag:s19] =	ssyncset.done $0x0  }
0x45: {  	s30 =	sadd.s32 $0x2780, s24;
	[sflag:s19] =	ssyncadd.s32 $0xFFFFD800  }
0x46: {  	[spmem:s3] =	stream.indirect.scatter.add.f32 [tilespmem:s17], [sflag:$0x3], $0x80, s30, s16, $0xb8;
	[tilespmem:$0x1F380] =	vst v63  }
0x47: {  	_ =	swait.ge [sflag:s12], $0x2800  }
0x48: {  	[sflag:s12] =	ssyncset.done $0x0  }
0x49: {  	[sflag:s12] =	ssyncadd.s32 $0xFFFFD800  }
0x4a: {  	[tilespmem:s17], [sflag:$0x1] =	stream.indirect.gather [hbm4b:s1+s16], $0x80, s23, s16, $0xb8;
	[tilespmem:$0x1F380] =	vst v63  }
0x4b: {  	_ =	swait.ge [sflag:s20], $0x2800  }
0x4c: {  	[sflag:s20] =	ssyncset.done $0x0  }
0x4d: {  	s31 =	sadd.s32 $0x2800, s24;
	[sflag:s20] =	ssyncadd.s32 $0xFFFFD800  }
0x4e: {  	[spmem:s3] =	stream.indirect.scatter.add.f32 [tilespmem:s18], [sflag:$0x3], $0x80, s31, s16, $0xb8;
	[tilespmem:$0x1F380] =	vst v63  }
0x4f: {  	_ =	swait.ge [sflag:s12], $0x2800  }
0x50: {  	[sflag:s12] =	ssyncset.done $0x0  }
0x51: {  	[sflag:s12] =	ssyncadd.s32 $0xFFFFD800  }
0x52: {  	_ =	swait.ge [sflag:s19], $0x2800  }
0x53: {  	[sflag:s19] =	ssyncset.done $0x0  }
0x54: {  	[sflag:s19] =	ssyncadd.s32 $0xFFFFD800  }
0x55: {  	[spmem:s3] =	stream.indirect.scatter.add.f32 [tilespmem:s17], [sflag:$0x3], $0x80, s21, s16, $0xb8;
	[tilespmem:$0x1F380] =	vst v63  }
0x56: {  	_ =	swait.ge [sflag:s12], $0x2800  }
0x57: {  	s22 =	sadd.s32 $0x1, s22;
	[sflag:s12] =	ssyncset.done $0x0  }
0x58: {  	p0 =	sne.s32 s22, s9;
	[sflag:s12] =	ssyncadd.s32 $0xFFFFD800  }
.Ltmp1:
0x59: {  	[bflag:$0x0] =	sbarrier.arrive $0xFFFF;
	(pc) =	sbr.rel @p0 .LBB2_1-.Ltmp1, $4  }
0x5a: {  	[hbm:s8], [sflag:s14] =	dma.local [spmem:s15], $0x2780  }
0x5b: {  	_ =	swait.ge [sflag:s12], $0x2780  }
0x5c: {  	[sflag:s12] =	ssyncset.done $0x0  }
0x5d: {  	[sflag:s12] =	ssyncadd.s32 $0xFFFFD880  }
0x5e: {  	_ =	sfence.sel $0x180000  }
0x5f: {  	[bflag:$0x0] =	sbarrier.arrive $0xFFFF  }
0x60: {  	p0 =	sne.s32 s0, $0x0;
	_ =	strace $0x9000004A  }
0x61: {  	s0 =	sadd.s32 @!p0 $0x100000, s2;
	[bflag:$0x2] =	sbarrier.arrive $0xFFFF  }
0x62: {  	[sflag:s0] =	ssyncadd.tile.s32 @!p0 $0x1;
	_ =	shalt  }
.Lfunc_end2:
_tile_overlayer_lowered:
.L_overlay_start_2:
0x63: {  	(tag) =	ssettag $0x2  }
0x64: {  	s0 =	rddreg [dreg:$0x0];
	s2 =	stileid.u32  }
0x65: {  	s1 =	rddreg [dreg:$0x1];
	p0 =	sne.s32 s2, $0x0  }
0x66: {  	s3 =	rddreg [dreg:$0x2];
	[bflag:$0x3] =	sbarrier.arrive $0xFFFF;
	s2 =	simm.s32 @!p0 $0x1C03  }
0x67: {  	[timem:s3], [sflag:s2] =	dma.local @!p0 [hbm:s0], s1  }
0x68: {  	s0 =	simm.s32 @!p0 $0x3  }
0x69: {  	_ =	swait.ge @!p0 [sflag:s0], s1  }
0x6a: {  	s1 =	ssub.s32 @!p0 $0x0, s1;
	[sflag:s0] =	ssyncset.done @!p0 $0x0  }
0x6b: {  	[sflag:s0] =	ssyncadd.s32 @!p0 s1  }
0x6c: {  	[bflag:$0x3] =	sbarrier.arrive $0xFFFF  }
0x6d: {  	_ =	shalt  }

// kernel: kernel.7.cloned.1.call-start
scs
__scs_entry_jumppad:
0x0: {  	(pc) =	sbr.rel $0x88, $3  }
0x1: {  	(tag) =	ssettag $0x0;
	lr =	simm.s32 $0x1  }
0x2: {  	[smem:$0x3F95] =	sst lr;
	_ =	strace $0xD0000000  }
0x3: {  	_ = 	snop  }
0x4: {  	_ = 	snop  }
0x5: {  	_ = 	snop  }
0x6: {  	_ = 	snop  }
0x7: {  	_ = 	snop  }
__scs_overlays_trampoline_lowered:
0x8: {  	[smem:$0x3FA4] =	sst s0  }
0x9: {  	[smem:$0x3FA5] =	sst s1  }
0xa: {  	[smem:$0x3FA6] =	sst s2  }
0xb: {  	[smem:$0x3FA7] =	sst s3  }
0xc: {  	[smem:$0x3FA8] =	sst s4  }
0xd: {  	[smem:$0x3FA9] =	sst s5  }
0xe: {  	[smem:$0x3FAA] =	sst s6  }
0xf: {  	[smem:$0x3FAB] =	sst s7  }
0x10: {  	[smem:$0x3FAC] =	sst s8  }
0x11: {  	[smem:$0x3FAD] =	sst s9;
	s0 =	simm.s32 @!p0 $0x0  }
0x12: {  	s1 =	sld [smem:$0x3F93];
	s0 =	simm.s32 @p0 $0x1  }
0x13: {  	[smem:$0x3FAE] =	sst s0;
	s0 =	simm.s32 @!p1 $0x0  }
0x14: {  	s2 =	sld [smem:$0x3F92];
	s0 =	simm.s32 @p1 $0x1  }
0x15: {  	[smem:$0x3FAF] =	sst s0;
	s0 =	simm.s32 @!p2 $0x0  }
0x16: {  	s3 =	sld [smem:$0x3FDB];
	s0 =	simm.s32 @p2 $0x1  }
0x17: {  	s4 =	simm.s32 $0x1BF5;
	[smem:$0x3FB1] =	sst s0  }
0x18: {  	s0 =	sld [smem:$0x3F94];
	_ =	swait.ge [sflag:s4], $0x0  }
0x19: {  	s7 =	sld [smem:$0x3F95]  }
0x1a: {  	s8 =	sadd.s32 $0xFFFFE003, lr  }
0x1b: {  	s9 =	sadd.s32 $0xFFFFFEF7, lr;
	s5 =	simm.s32 $0xFFFFFFFF;
	p2 =	slt.u32 s8, $0xFFFFF086  }
0x1c: {  	p1 =	slt.u32 s9, $0xF7A;
	s5 =	simm.s32 @!p2 $0x0  }
0x1d: {  	s5 =	simm.s32 @p1 $0x1;
	p0 =	seq.s32 s7, s2  }
0x1e: {  	s7 =	smul.u32 @!p0 $0xF7A, s2;
	p2 =	seq.s32 @!p0 s5, $0x0  }
0x1f: {  	s9 =	smul.u32 $0xF7A, s1;
	s8 =	simm.s32 @!p0 $0x1BF5;
	p2 =	por !p2, p0  }
0x20: {  	[sflag:s8] =	ssyncset.s32 @!p0 $0xFFFFF086;
	s6 =	sadd.s32 @!p0 s3, s7;
	s7 =	simm.s32 @!p0 $0x108  }
0x21: {  	s3 =	sadd.s32 s3, s9;
	s6 =	sadd.s32 @!p0 $0x88, s6;
	s7 =	simm.s32 @p2 $0x1082  }
0x22: {  	[simem:s7], [sflag:s8] =	dma.local @!p0 [hbm:s6], $0xF7A  }
0x23: {  	s9 =	sor.u32 $0xD0000000, s2;
	s6 =	simm.s32 $0x108;
	_ =	swait.ge @!p0 [sflag:s8], $0x0  }
0x24: {  	s3 =	sadd.s32 $0x88, s3;
	s6 =	simm.s32 @!p1 $0x1082;
	[sflag:s4] =	ssyncset.s32 $0xFFFFF086  }
0x25: {  	[simem:s6], [sflag:s4] =	dma.local [hbm:s3], $0xF7A  }
0x26: {  	[smem:$0x3F95] =	sst s1;
	(tag) =	ssettag s2;
	_ =	strace s9  }
0x27: {  	s1 =	sld [smem:$0x3FA5]  }
0x28: {  	s2 =	sld [smem:$0x3FA6]  }
0x29: {  	s4 =	sld [smem:$0x3FA8]  }
0x2a: {  	p0 =	seq.s32 s5, $0x0;
	s5 =	sld [smem:$0x3FA9]  }
0x2b: {  	s6 =	sld [smem:$0x3FAA]  }
0x2c: {  	s7 =	sld [smem:$0x3FAB]  }
0x2d: {  	s3 =	simm.s32 $0x108;
	s8 =	sld [smem:$0x3FAC]  }
0x2e: {  	s3 =	simm.s32 @!p0 $0x1082;
	s9 =	sld [smem:$0x3FAD]  }
0x2f: {  	lr =	sadd.s32 s0, s3;
	s0 =	sld [smem:$0x3FA4]  }
0x30: {  	s3 =	sld [smem:$0x3FA7]  }
0x31: {  	[smem:$0x3FB0] =	sst s10  }
0x32: {  	s10 =	sld [smem:$0x3FAE];
	_ =	sdelay $0x3  }
0x33: {  	p0 =	seq.s32 s10, $0x1;
	s10 =	sld [smem:$0x3FB0];
	_ =	sdelay $0x3  }
0x34: {  	[smem:$0x3FB0] =	sst s10  }
0x35: {  	s10 =	sld [smem:$0x3FAF];
	_ =	sdelay $0x3  }
0x36: {  	p1 =	seq.s32 s10, $0x1;
	s10 =	sld [smem:$0x3FB0];
	_ =	sdelay $0x3  }
0x37: {  	[smem:$0x3FB0] =	sst s10  }
0x38: {  	s10 =	sld [smem:$0x3FB1]  }
0x39: {  	_ = 	snop;
	(pc) =	sbr.ind lr, $3  }
0x3a: {  	_ = 	snop  }
0x3b: {  	_ = 	snop  }
0x3c: {  	p2 =	seq.s32 s10, $0x1;
	s10 =	sld [smem:$0x3FB0]  }
0x3d: {  	_ =	shalt  }
0x3e: {  	_ =	shalt  }
0x3f: {  	_ =	shalt  }
0x40: {  	_ =	shalt  }
0x41: {  	_ =	shalt  }
0x42: {  	_ =	shalt  }
0x43: {  	_ =	shalt  }
0x44: {  	_ =	shalt  }
0x45: {  	_ =	shalt  }
0x46: {  	_ =	shalt  }
0x47: {  	_ =	shalt  }
0x48: {  	_ =	shalt  }
0x49: {  	_ =	shalt  }
0x4a: {  	_ =	shalt  }
0x4b: {  	_ =	shalt  }
0x4c: {  	_ =	shalt  }
0x4d: {  	_ =	shalt  }
0x4e: {  	_ =	shalt  }
0x4f: {  	_ =	shalt  }
0x50: {  	_ =	shalt  }
0x51: {  	_ =	shalt  }
0x52: {  	_ =	shalt  }
0x53: {  	_ =	shalt  }
0x54: {  	_ =	shalt  }
0x55: {  	_ =	shalt  }
0x56: {  	_ =	shalt  }
0x57: {  	_ =	shalt  }
0x58: {  	_ =	shalt  }
0x59: {  	_ =	shalt  }
0x5a: {  	_ =	shalt  }
0x5b: {  	_ =	shalt  }
0x5c: {  	_ =	shalt  }
0x5d: {  	_ =	shalt  }
0x5e: {  	_ =	shalt  }
0x5f: {  	_ =	shalt  }
0x60: {  	_ =	shalt  }
0x61: {  	_ =	shalt  }
0x62: {  	_ =	shalt  }
0x63: {  	_ =	shalt  }
0x64: {  	_ =	shalt  }
0x65: {  	_ =	shalt  }
0x66: {  	_ =	shalt  }
0x67: {  	_ =	shalt  }
0x68: {  	_ =	shalt  }
0x69: {  	_ =	shalt  }
0x6a: {  	_ =	shalt  }
0x6b: {  	_ =	shalt  }
0x6c: {  	_ =	shalt  }
0x6d: {  	_ =	shalt  }
0x6e: {  	_ =	shalt  }
0x6f: {  	_ =	shalt  }
0x70: {  	_ =	shalt  }
0x71: {  	_ =	shalt  }
0x72: {  	_ =	shalt  }
0x73: {  	_ =	shalt  }
0x74: {  	_ =	shalt  }
0x75: {  	_ =	shalt  }
0x76: {  	_ =	shalt  }
0x77: {  	_ =	shalt  }
0x78: {  	_ =	shalt  }
0x79: {  	_ =	shalt  }
0x7a: {  	_ =	shalt  }
0x7b: {  	_ =	shalt  }
0x7c: {  	_ =	shalt  }
0x7d: {  	_ =	shalt  }
0x7e: {  	_ =	shalt  }
0x7f: {  	_ =	shalt  }
0x80: {  	_ =	shalt  }
0x81: {  	_ =	shalt  }
0x82: {  	_ =	shalt  }
0x83: {  	_ =	shalt  }
0x84: {  	_ =	shalt  }
0x85: {  	_ =	shalt  }
0x86: {  	_ =	shalt  }
0x87: {  	_ =	shalt  }
.Lfunc_end0:
.L_simem_size_0:
called_computation_lowered:
.L_overlay_start_0:
0x88: {  	s2 =	sld [smem:$0x3FD9]  }
0x89: {  	s3 =	sld [smem:$0x3FFE];
	_ =	sdelay $0x1  }
0x8a: {  	s1 =	srdreg.scid  }
0x8b: {  	s0 =	sand.u32 $0x1, s1  }
0x8c: {  	s17 =	sshll.u32 s0, $0xA;
	s2 =	sadd.s32 s3, s2  }
0x8d: {  	s2 =	sadd.s32 s2, s17  }
0x8e: {  	[smem:$0x3FBC] =	sst s2  }
0x8f: {  	_ = 	snop  }
0x90: {  	s2 =	sld [smem:$0x3FD0];
	(tm) =	ssettm $0x1  }
0x91: {  	s18 =	sld [smem:$0x3FFB];
	_ =	sdelay $0x3  }
0x92: {  	_ =	strace s18  }
0x93: {  	s3 =	sld [smem:$0x3FFC];
	_ =	sdelay $0x3  }
0x94: {  	_ =	strace s3  }
0x95: {  	s3 =	sld [smem:$0x3FFD];
	_ =	sdelay $0x3  }
0x96: {  	_ =	strace s3  }
0x97: {  	_ =	strace $0x8FFFFFFF  }
0x98: {  	s19 =	sld [smem:$0x3FDB];
	_ =	sdelay $0x1  }
0x99: {  	s4 =	simm.s32 $_scs_section_size  }
0x9a: {  	s5 =	simm.s32 $_size__tile_overlayer_lowered;
	s6 =	simm.s32 $_tile_overlayer_lowered  }
0x9b: {  	s22 =	simm.s32 $0x1BFF;
	s21 =	sshll.u32 s6, $0x1;
	s3 =	sadd.s32 s4, s19  }
0x9c: {  	s7 =	simm.s32 $0x0;
	s20 =	sshll.u32 s5, $0x1;
	s5 =	sadd.s32 s21, s3  }
0x9d: {  	[timem:s7], [sflag:s22] =	dma.local [hbm:s5], s20  }
0x9e: {  	_ =	swait.ge [sflag:s22], s20  }
0x9f: {  	s4 =	ssub.s32 $0x0, s20;
	[sflag:s22] =	ssyncset.done $0x0  }
0xa0: {  	[sflag:s22] =	ssyncadd.s32 s4;
	_ =	sdelay $0x1  }
0xa1: {  	s23 =	simm.s32 $0x1B8B  }
0xa2: {  	_ =	swait.ge [sflag:s23], $0x1  }
0xa3: {  	[sflag:s23] =	ssyncset.done $0x0  }
0xa4: {  	s25 =	simm.s32 $0x1B8E;
	s24 =	sld [smem:$0x3FFE];
	[sflag:s23] =	ssyncadd.s32 $0xFFFFFFFF  }
0xa5: {  	s26 =	simm.s32 $execute0_lowered;
	[smem:$0x3FD2] =	sst s25  }
0xa6: {  	s5 =	sshll.u32 s26, $0x1;
	_ =	strace $0x80000046;
	[dreg:$0x1] =	wrdreg $0xFFFFFFFF  }
0xa7: {  	s28 =	simm.s32 $_size_execute0_lowered;
	s3 =	sadd.s32 s3, s5;
	[dreg:$0x0] =	wrdreg $0x0  }
0xa8: {  	s5 =	sshll.u32 s28, $0x1;
	[dreg:$0x2] =	wrdreg s3  }
0xa9: {  	[dreg:$0x3] =	wrdreg s5  }
0xaa: {  	[dreg:$0x4] =	wrdreg $0xC0  }
0xab: {  	_ =	task [dreg:s7], $0x5FFFF  }
0xac: {  	[dreg:$0x1] =	wrdreg $0xFFFFFFFF  }
0xad: {  	[dreg:$0x0] =	wrdreg $0x60  }
0xae: {  	[dreg:$0x2] =	wrdreg s2  }
0xaf: {  	[dreg:$0x3] =	wrdreg s24  }
0xb0: {  	[dreg:$0x4] =	wrdreg $0xB7800  }
0xb1: {  	[dreg:$0x5] =	wrdreg $0x9  }
0xb2: {  	_ =	task.clear_ibuf [dreg:s7], $0x6FFFF;
	_ =	strace $0x90000046  }
0xb3: {  	s29 =	simm.s32 $0x9;
	_ =	strace $0x80000048  }
0xb4: {  	_ =	swait.ge [sflag:s29], $0x1  }
0xb5: {  	[sflag:s29] =	ssyncadd.s32 $0xFFFFFFFF  }
0xb6: {  	_ =	strace $0x90000048  }
0xb7: {  	_ =	sfence  }
0xb8: {  	s30 =	sld [smem:$0x0];
	_ =	sdelay $0x2  }
0xb9: {  	s31 =	sshll.u32 s1, $0xD;
	s1 =	sshrl.u32 s1, $0x2  }
0xba: {  	s3 =	sand.u32 $0x4000, s31;
	s1 =	sadd.s32 s1, s30  }
0xbb: {  	s0 =	sor.u32 s3, s0;
	s1 =	sshll.u32 s1, $0x11  }
0xbc: {  	s0 =	sor.u32 s1, s0  }
0xbd: {  	s0 =	sadd.s32 $0x8F2B, s0  }
0xbe: {  	[sflag:s0] =	ssyncadd.remote.s32 $0x1  }
0xbf: {  	_ =	sfence.sel $0xFFFF  }
0xc0: {  	[dreg:$0x0] =	wrdreg $0xFFFFFFFF;
	(pc) =	sbr.abs _section_cstart, $3  }
0xc1: {  	[dreg:$0x1] =	wrdreg $0xFFFFFFFF  }
0xc2: {  	_ =	task.clear_ibuf [dreg:s7], $0x2FFFF;
	_ =	strace $0x9FFFFFFF  }
0xc3: {  	(tm) =	ssettm $0x7FFFFFFF  }
tec
execute0_lowered:
.L_overlay_start_1:
0x0: {  	(tag) =	ssettag $0x1  }
0x1: {  	s1 =	rddreg [dreg:$0x0]  }
0x2: {  	s0 =	srdreg.scid;
	s6 =	rddreg [dreg:$0x1]  }
0x3: {  	s3 =	rddreg [dreg:$0x2];
	s12 =	simm.s32 $0x3;
	s13 =	simm.s32 $0x2780  }
0x4: {  	s16 =	simm.s32 $0x50;
	s17 =	simm.s32 $0x6780;
	s18 =	simm.s32 $0x8F80  }
0x5: {  	s19 =	simm.s32 $0x1;
	s20 =	simm.s32 $0x2;
	s5 =	sand.u32 $0x1, s0  }
0x6: {  	s21 =	simm.s32 $0x6580;
	s0 =	stileid.u32;
	s10 =	smul.u32 $0x13C000, s5  }
0x7: {  	s22 =	simm.s32 $0x0;
	s2 =	sshll.u32 s5, $0x4;
	s28 =	smul.u32 $0x13C00, s0  }
0x8: {  	s9 =	sshll.u32 s0, $0x7;
	s29 =	ssub.s32 $0x2, s5;
	s11 =	smul.u32 $0x4F000, s0  }
0x9: {  	s5 =	sadd.s32 $0x1BC00, s6;
	s14 =	sshll.u32 s0, $0x6;
	s7 =	sor.u32 s0, s2  }
0xa: {  	s2 =	rddreg [dreg:$0x3];
	s9 =	sand.u32 $0x380, s9;
	s30 =	sshrl.u32 s29, $0x1  }
0xb: {  	s14 =	sor.u32 $0x1C03, s14;
	s4 =	sshrl.u32 s7, $0x3;
	s7 =	sshll.u32 s7, $0xB  }
0xc: {  	s31 =	sshrl.u32 s11, $0x2;
	s11 =	simm.s32 $0x400;
	s8 =	smul.u32 $0x13C00, s4  }
0xd: {  	s4 =	simm.s32 $0x0;
	s7 =	sadd.s32 s7, s6;
	s15 =	sadd.s32 s31, s3  }
0xe: {  	[smem:$0x7FF] =	sst s4;
	s7 =	sadd.s32 $0x1E00, s7;
	s8 =	sor.u32 s9, s8  }
0xf: {  	s15 =	sshrl.u32 s15, $0x3;
	s9 =	sadd.s32 s28, s10;
	s8 =	sshrl.u32 s8, $0x3  }
0x10: {  	_ =	strace $0x80000047;
	s9 =	sshrl.u32 s9, $0x3;
	s8 =	sadd.s32 s8, s6  }
0x11: {  	s10 =	ssub.s32 s29, s30;
	s9 =	sadd.s32 s9, s6;
	s6 =	sadd.s32 $0x11E00, s8  }
0x12: {  	s8 =	sadd.s32 $0x1E400, s9;
	s9 =	smax.u32 s10, $0x1;
	s10 =	simm.s32 $0x80  }
.LBB2_1:
0x13: {  	[tilespmem:s4], [sflag:$0x3] =	stream.strided.gather [hbm4b:s6+s10], $0x2780, s11, s10, $0x38;
	[tilespmem:$0x1F380] =	vst v63  }
0x14: {  	_ =	swait.ge [sflag:s12], $0x2780  }
0x15: {  	[sflag:s12] =	ssyncset.done $0x0  }
0x16: {  	[sflag:s12] =	ssyncadd.s32 $0xFFFFD880  }
0x17: {  	[tilespmem:s13], [sflag:$0x3] =	stream.linear.gather [hbm4b:s7+s4], $0x3E80, $0x38;
	[tilespmem:$0x1F380] =	vst v63  }
0x18: {  	_ =	swait.ge [sflag:s12], $0x3E80  }
0x19: {  	[sflag:s12] =	ssyncset.done $0x0  }
0x1a: {  	[sflag:s12] =	ssyncadd.s32 $0xFFFFC180  }
0x1b: {  	[spmem:s15], [sflag:s14] =	dma.local [hbm:s5], $0x2780  }
0x1c: {  	_ =	swait.ge [sflag:s12], $0x2780  }
0x1d: {  	[sflag:s12] =	ssyncset.done $0x0  }
0x1e: {  	[sflag:s12] =	ssyncadd.s32 $0xFFFFD880  }
0x1f: {  	[bflag:$0x0] =	sbarrier.arrive $0xFFFF  }
0x20: {  	[tilespmem:s17], [sflag:$0x1] =	stream.indirect.gather [hbm4b:s1+s16], $0x80, s4, s16, $0xb8;
	[tilespmem:$0x1F380] =	vst v63  }
0x21: {  	s23 =	simm.s32 $0x50  }
0x22: {  	[tilespmem:s18], [sflag:$0x2] =	stream.indirect.gather [hbm4b:s1+s16], $0x80, s23, s16, $0xb8;
	[tilespmem:$0x1F380] =	vst v63  }
0x23: {  	_ =	swait.ge [sflag:s19], $0x2800  }
0x24: {  	[sflag:s19] =	ssyncset.done $0x0  }
0x25: {  	s29 =	simm.s32 $0x2780;
	[sflag:s19] =	ssyncadd.s32 $0xFFFFD800  }
0x26: {  	[spmem:s3] =	stream.indirect.scatter.add.f32 [tilespmem:s17], [sflag:$0x3], $0x80, s29, s16, $0xb8;
	[tilespmem:$0x1F380] =	vst v63  }
0x27: {  	_ =	swait.ge [sflag:s12], $0x2800  }
0x28: {  	[sflag:s12] =	ssyncset.done $0x0  }
0x29: {  	s30 =	simm.s32 $0xA0;
	[sflag:s12] =	ssyncadd.s32 $0xFFFFD800  }
0x2a: {  	[tilespmem:s17], [sflag:$0x1] =	stream.indirect.gather [hbm4b:s1+s16], $0x80, s30, s16, $0xb8;
	[tilespmem:$0x1F380] =	vst v63  }
0x2b: {  	_ =	swait.ge [sflag:s20], $0x2800  }
0x2c: {  	[sflag:s20] =	ssyncset.done $0x0  }
0x2d: {  	s31 =	simm.s32 $0x2800;
	[sflag:s20] =	ssyncadd.s32 $0xFFFFD800  }
0x2e: {  	[spmem:s3] =	stream.indirect.scatter.add.f32 [tilespmem:s18], [sflag:$0x3], $0x80, s31, s16, $0xb8;
	[tilespmem:$0x1F380] =	vst v63  }
0x2f: {  	s24 =	simm.s32 $0x400;
	_ =	swait.ge [sflag:s12], $0x2800  }
0x30: {  	s25 =	simm.s32 $0x800;
	s23 =	simm.s32 $0x140;
	[sflag:s12] =	ssyncset.done $0x0  }
.LBB2_2:
0x31: {  	p0 =	sne.s32 s25, $0xF400;
	s26 =	sadd.s32 $0xFFFFFFB0, s23;
	[sflag:s12] =	ssyncadd.s32 $0xFFFFD800  }
0x32: {  	[tilespmem:s18], [sflag:$0x2] =	stream.indirect.gather [hbm4b:s1+s16], $0x80, s26, s16, $0xb8;
	[tilespmem:$0x1F380] =	vst v63  }
0x33: {  	s26 =	smov.u32 s25;
	s25 =	sadd.s32 $0x400, s25;
	_ =	swait.ge [sflag:s19], $0x2800  }
0x34: {  	s28 =	sshra.s32 s24, $0x2;
	s24 =	smov.u32 s26;
	[sflag:s19] =	ssyncset.done $0x0  }
0x35: {  	s26 =	sadd.s32 $0x2780, s28;
	[sflag:s19] =	ssyncadd.s32 $0xFFFFD800  }
0x36: {  	[spmem:s3] =	stream.indirect.scatter.add.f32 [tilespmem:s17], [sflag:$0x3], $0x80, s26, s16, $0xb8;
	[tilespmem:$0x1F380] =	vst v63  }
0x37: {  	_ =	swait.ge [sflag:s12], $0x2800  }
0x38: {  	[sflag:s12] =	ssyncset.done $0x0  }
0x39: {  	[sflag:s12] =	ssyncadd.s32 $0xFFFFD800  }
0x3a: {  	[tilespmem:s17], [sflag:$0x1] =	stream.indirect.gather [hbm4b:s1+s16], $0x80, s23, s16, $0xb8;
	[tilespmem:$0x1F380] =	vst v63  }
0x3b: {  	_ =	swait.ge [sflag:s20], $0x2800  }
.Ltmp0:
0x3c: {  	[sflag:s20] =	ssyncset.done $0x0;
	(pc) =	sbr.rel @p0 .LBB2_2-.Ltmp0, $4  }
0x3d: {  	s26 =	sadd.s32 $0x2800, s28;
	[sflag:s20] =	ssyncadd.s32 $0xFFFFD800  }
0x3e: {  	[spmem:s3] =	stream.indirect.scatter.add.f32 [tilespmem:s18], [sflag:$0x3], $0x80, s26, s16, $0xb8;
	[tilespmem:$0x1F380] =	vst v63  }
0x3f: {  	_ =	swait.ge [sflag:s12], $0x2800  }
0x40: {  	s23 =	sadd.s32 $0xA0, s23;
	[sflag:s12] =	ssyncset.done $0x0  }
0x41: {  	s25 =	sadd.s32 $0xFFFFFFB0, s23;
	[sflag:s12] =	ssyncadd.s32 $0xFFFFD800  }
0x42: {  	[tilespmem:s18], [sflag:$0x2] =	stream.indirect.gather [hbm4b:s1+s16], $0x80, s25, s16, $0xb8;
	[tilespmem:$0x1F380] =	vst v63  }
0x43: {  	_ =	swait.ge [sflag:s19], $0x2800  }
0x44: {  	s24 =	sshra.s32 s24, $0x2;
	[sflag:s19] =	ssyncset.done $0x0  }
0x45: {  	s30 =	sadd.s32 $0x2780, s24;
	[sflag:s19] =	ssyncadd.s32 $0xFFFFD800  }
0x46: {  	[spmem:s3] =	stream.indirect.scatter.add.f32 [tilespmem:s17], [sflag:$0x3], $0x80, s30, s16, $0xb8;
	[tilespmem:$0x1F380] =	vst v63  }
0x47: {  	_ =	swait.ge [sflag:s12], $0x2800  }
0x48: {  	[sflag:s12] =	ssyncset.done $0x0  }
0x49: {  	[sflag:s12] =	ssyncadd.s32 $0xFFFFD800  }
0x4a: {  	[tilespmem:s17], [sflag:$0x1] =	stream.indirect.gather [hbm4b:s1+s16], $0x80, s23, s16, $0xb8;
	[tilespmem:$0x1F380] =	vst v63  }
0x4b: {  	_ =	swait.ge [sflag:s20], $0x2800  }
0x4c: {  	[sflag:s20] =	ssyncset.done $0x0  }
0x4d: {  	s31 =	sadd.s32 $0x2800, s24;
	[sflag:s20] =	ssyncadd.s32 $0xFFFFD800  }
0x4e: {  	[spmem:s3] =	stream.indirect.scatter.add.f32 [tilespmem:s18], [sflag:$0x3], $0x80, s31, s16, $0xb8;
	[tilespmem:$0x1F380] =	vst v63  }
0x4f: {  	_ =	swait.ge [sflag:s12], $0x2800  }
0x50: {  	[sflag:s12] =	ssyncset.done $0x0  }
0x51: {  	[sflag:s12] =	ssyncadd.s32 $0xFFFFD800  }
0x52: {  	_ =	swait.ge [sflag:s19], $0x2800  }
0x53: {  	[sflag:s19] =	ssyncset.done $0x0  }
0x54: {  	[sflag:s19] =	ssyncadd.s32 $0xFFFFD800  }
0x55: {  	[spmem:s3] =	stream.indirect.scatter.add.f32 [tilespmem:s17], [sflag:$0x3], $0x80, s21, s16, $0xb8;
	[tilespmem:$0x1F380] =	vst v63  }
0x56: {  	_ =	swait.ge [sflag:s12], $0x2800  }
0x57: {  	s22 =	sadd.s32 $0x1, s22;
	[sflag:s12] =	ssyncset.done $0x0  }
0x58: {  	p0 =	sne.s32 s22, s9;
	[sflag:s12] =	ssyncadd.s32 $0xFFFFD800  }
.Ltmp1:
0x59: {  	[bflag:$0x0] =	sbarrier.arrive $0xFFFF;
	(pc) =	sbr.rel @p0 .LBB2_1-.Ltmp1, $4  }
0x5a: {  	[hbm:s8], [sflag:s14] =	dma.local [spmem:s15], $0x2780  }
0x5b: {  	_ =	swait.ge [sflag:s12], $0x2780  }
0x5c: {  	[sflag:s12] =	ssyncset.done $0x0  }
0x5d: {  	[sflag:s12] =	ssyncadd.s32 $0xFFFFD880  }
0x5e: {  	_ =	sfence.sel $0x180000  }
0x5f: {  	[bflag:$0x0] =	sbarrier.arrive $0xFFFF  }
0x60: {  	p0 =	sne.s32 s0, $0x0;
	_ =	strace $0x90000047  }
0x61: {  	s0 =	sadd.s32 @!p0 $0x100000, s2;
	[bflag:$0x2] =	sbarrier.arrive $0xFFFF  }
0x62: {  	[sflag:s0] =	ssyncadd.tile.s32 @!p0 $0x1;
	_ =	shalt  }
.Lfunc_end2:
_tile_overlayer_lowered:
.L_overlay_start_2:
0x63: {  	(tag) =	ssettag $0x2  }
0x64: {  	s0 =	rddreg [dreg:$0x0];
	s2 =	stileid.u32  }
0x65: {  	s1 =	rddreg [dreg:$0x1];
	p0 =	sne.s32 s2, $0x0  }
0x66: {  	s3 =	rddreg [dreg:$0x2];
	[bflag:$0x3] =	sbarrier.arrive $0xFFFF;
	s2 =	simm.s32 @!p0 $0x1C03  }
0x67: {  	[timem:s3], [sflag:s2] =	dma.local @!p0 [hbm:s0], s1  }
0x68: {  	s0 =	simm.s32 @!p0 $0x3  }
0x69: {  	_ =	swait.ge @!p0 [sflag:s0], s1  }
0x6a: {  	s1 =	ssub.s32 @!p0 $0x0, s1;
	[sflag:s0] =	ssyncset.done @!p0 $0x0  }
0x6b: {  	[sflag:s0] =	ssyncadd.s32 @!p0 s1  }
0x6c: {  	[bflag:$0x3] =	sbarrier.arrive $0xFFFF  }
0x6d: {  	_ =	shalt  }

</sc_bundles>
